<compile_context>
chip_gen: v7x
topology: tpu7x:2x2x1
jax: 0.10.2.dev20260603
libtpu: 0.0.44.dev20260713+nightly
codegen_flags: <defaults>
</compile_context>

<pallas_src>
import functools

import jax
import jax.numpy as jnp
from jax import lax
from jax.experimental import pallas as pl
from jax.experimental.pallas import tpu as pltpu
from jax.experimental.pallas import tpu_sc as plsc

B = 256
K = 1024
F = 128
W = 4


def _vgather(vec, idx):
  dnums = lax.GatherDimensionNumbers(
      offset_dims=(), collapsed_slice_dims=(0,), start_index_map=(0,))
  return lax.gather(vec, idx[:, None], dnums, slice_sizes=(1,),
                    mode=lax.GatherScatterMode.PROMISE_IN_BOUNDS)


@jax.jit
def _sc_switch(query, km3, sv):
  info = plsc.get_sparse_core_info()
  NC, NS, L = info.num_cores, info.num_subcores, info.num_lanes
  NT = NC * NS
  QPT = B // NT
  RPS = K // NS
  NG = RPS // L

  mesh = plsc.VectorSubcoreMesh(core_axis_name="c", subcore_axis_name="s")

  @functools.partial(
      pl.kernel,
      out_type=jax.ShapeDtypeStruct((NT, QPT), jnp.float32),
      mesh=mesh,
      compiler_params=pltpu.CompilerParams(
          needs_layout_passes=False, use_tc_tiling_on_sc=False,
          skip_device_barrier=True),
      scratch_types=[
          pltpu.VMEM((QPT, F), jnp.float32),
          pltpu.VMEM((F, RPS), jnp.float32),
          pltpu.VMEM((2, W, RPS), jnp.int32),
          pltpu.VMEM_SHARED((NS, 2, W, RPS), jnp.int32),
          pltpu.VMEM((NS, 2, W, RPS), jnp.int32),
          pltpu.VMEM((2, K), jnp.float32),
          pltpu.VMEM((16,), jnp.float32),
          pltpu.SemaphoreType.DMA,
          pltpu.SemaphoreType.DMA,
          pltpu.SemaphoreType.DMA,
      ],
  )
  def body(q_hbm, km3_hbm, sv_hbm, out_hbm,
           qstage, kmstage, kcpl, kcp_sh, kcp, sv_v, outv,
           sem_q, sem_km, sem_sv):
    cid = lax.axis_index("c")
    sid = lax.axis_index("s")
    wid = cid * NS + sid

    cq = pltpu.async_copy(q_hbm.at[pl.ds(wid * QPT, QPT)], qstage, sem_q)
    ckm = pltpu.async_copy(km3_hbm.at[:, pl.ds(sid * RPS, RPS)], kmstage,
                           sem_km)
    csv = pltpu.async_copy(sv_hbm, sv_v, sem_sv)

    lanes = lax.iota(jnp.int32, L)
    pow2 = lax.shift_left(jnp.ones((L,), jnp.int32), lanes)
    ione = jnp.full((L,), 1, jnp.int32)

    ckm.wait()
    def wbody(w, _):
      def rbody(j, accs):
        kaccs, caccs = accs
        f = 32 * w + j
        sh = jnp.full((L,), j, jnp.int32)
        kaccs_n = []
        caccs_n = []
        for lg in range(NG):
          km = kmstage[f, pl.ds(lg * L, L)].astype(jnp.int32)
          kbit = km & ione
          cbit = (km >> 1) ^ ione
          kaccs_n.append(kaccs[lg] | lax.shift_left(kbit, sh))
          caccs_n.append(caccs[lg] | lax.shift_left(cbit, sh))
        return tuple(kaccs_n), tuple(caccs_n)
      zero = jnp.zeros((L,), jnp.int32)
      kaccs, caccs = lax.fori_loop(
          0, 32, rbody,
          (tuple(zero for _ in range(NG)), tuple(zero for _ in range(NG))),
          unroll=2)
      for lg in range(NG):
        kcpl[0, w, pl.ds(lg * L, L)] = kaccs[lg]
        kcpl[1, w, pl.ds(lg * L, L)] = caccs[lg]
      return 0
    lax.fori_loop(0, W, wbody, 0)

    pltpu.sync_copy(kcpl, kcp_sh.at[sid])
    plsc.subcore_barrier()
    pltpu.sync_copy(kcp_sh, kcp)
    cq.wait()
    csv.wait()

    v0 = jnp.max(_vgather(sv_v[1, pl.ds(0, L)], jnp.zeros((L,), jnp.int32)))
    fzero = jnp.zeros((L,), jnp.float32)
    izero = jnp.zeros((L,), jnp.int32)
    big = jnp.full((L,), K, jnp.int32)
    fmask = jnp.zeros((L,), jnp.bool_)

    NQ = 2

    def quad_body(bp, predv):
      b0 = NQ * bp
      qw = []
      for b in range(NQ):
        wl = []
        for w in range(W):
          lo = jnp.sum(
              qstage[b0 + b, pl.ds(32 * w, L)].astype(jnp.int32) * pow2)
          hi = jnp.sum(
              qstage[b0 + b, pl.ds(32 * w + L, L)].astype(jnp.int32) * pow2)
          wl.append(jnp.broadcast_to(lo | (hi << 16), (L,)))
        qw.append(wl)

      def scan(s, st):
        st = list(st)
        for i in range(NG):
          base = s * RPS + i * L
          kpw = [kcp[s, 0, w, pl.ds(i * L, L)] for w in range(W)]
          cpw = [kcp[s, 1, w, pl.ds(i * L, L)] for w in range(W)]
          svec = sv_v[0, pl.ds(base, L)]
          vvec = sv_v[1, pl.ds(base, L)]
          idxv = base + lanes

          for qb in range(NQ):
            best, bidx, bval, anym = st[4 * qb:4 * qb + 4]
            mism = ((qw[qb][0] ^ kpw[0]) & cpw[0])
            for w in range(1, W):
              mism = mism | ((qw[qb][w] ^ kpw[w]) & cpw[w])
            match = mism == izero
            gt = match & (svec > best)
            st[4 * qb:4 * qb + 4] = (jnp.where(gt, svec, best),
                                     jnp.where(gt, idxv, bidx),
                                     jnp.where(gt, vvec, bval),
                                     anym | match)
        return tuple(st)

      st = lax.fori_loop(0, NS, scan,
                         (fzero, big, fzero, fmask) * NQ)

      for i in range(NQ):
        best, bidx, bval, anym = st[4 * i:4 * i + 4]
        m = jnp.max(best)
        win = best == m
        ks = jnp.min(jnp.where(win, bidx, big))
        winner = win & (bidx == ks)
        val = jnp.sum(jnp.where(winner, bval, fzero))
        anys = jnp.max(jnp.where(anym, 1, 0).astype(jnp.int32))
        pred_b = jnp.where(m > 0.0, val,
                           jnp.where(anys > 0, v0, 0.0))
        predv = jnp.where(lanes == b0 + i, pred_b, predv)
      return predv

    predv = lax.fori_loop(0, QPT // NQ, quad_body, fzero)

    outv[...] = predv
    pltpu.sync_copy(outv.at[pl.ds(0, QPT)], out_hbm.at[wid])

  return body(query, km3, sv)


def kernel(query, label, keys, masks, values, scores):
  del label
  ns = 16
  km3 = (keys + 2.0 * masks).T
  sv = jnp.stack([scores, values])
  out = _sc_switch(query, km3, sv)
  return out.reshape(B)

# --- scband reference (transcript-rebuilt; emitter-appended) ---
"""Pipeline reference for scband-switch-46170898432170 (READ-ONLY COPY).

The authoritative reference and input builder live on the scoring server;
editing this copy changes nothing except your own understanding.
"""

import jax, jax.numpy as jnp
import numpy as np

B = 256
K = 1024  # num_keys
F = 128   # in_fea


def setup_inputs(seed: int = 0) -> dict:
    key = jax.random.key(seed)
    k1, k2, k3, k4, k5, k6 = jax.random.split(key, 6)
    # forward args
    query = jax.random.randint(k1, (B, F), 0, 2).astype(jnp.float32)  # bitarray queries
    label = jax.random.randint(k2, (B,), 0, 2)
    # buffers built in set_memory (materialized here as inputs)
    keys_t = jax.random.randint(k3, (K, F), 0, 2).astype(jnp.float32)          # self.keys (before unsqueeze)
    mask0 = jax.random.randint(k4, (K, F), 0, 2).astype(jnp.float32)
    masks = jnp.abs(mask0 - 1.0)                                               # self.masks = |mask - 1|
    values = jax.random.randint(k5, (K,), 0, 2).astype(jnp.float32)            # self.values (float for differentiability)
    scores = jax.random.uniform(k6, (K,), dtype=jnp.float32)                   # self.scores (priority)
    return {"query": query, "label": label, "keys": keys_t, "masks": masks,
            "values": values, "scores": scores}


def reference(query, label, keys, masks, values, scores):
    # num_drop=0, cache=False, return_key=False path
    in_fea = query.shape[-1]
    num_keys = keys.shape[0]
    q = query[:, None, :]                     # (B, 1, F)
    k = keys[None, :, :]                      # (1, K, F)
    m = masks[None, :, :]                     # (1, K, F)
    # per-bit XNOR match: 1 - (q + k - 2*q*k)
    out = 1.0 - (q + k - 2.0 * q * k)
    # masked (don't-care) bits always count as a match
    out = out + m - out * m
    out = out.sum(axis=-1)                    # (B, K) number of matching bits
    in_fea_row = jnp.ones((1, num_keys), dtype=out.dtype) * float(in_fea)
    match = (out == in_fea_row)               # (B, K) full-match mask
    scores_row = scores[None, :]
    index = jnp.argmax(match * scores_row, axis=-1)       # highest-priority matching rule
    pred = jnp.take(values, index, axis=0)                # (B,)
    index_default = (match.sum(axis=-1) == 0)
    index_match = (match.sum(axis=-1) != 0)
    default_value = 0.0
    pred = pred * index_match + index_default * default_value
    return pred

if __name__ == "__main__":
    import jax
    _d = setup_inputs()
    print(jax.jit(kernel)(*tuple(_d.values())))

</pallas_src>

<mosaic_0001>
#map = affine_map<(d0, d1) -> (0, 0)>
module attributes {stable_mosaic.version = 14 : i64} {
  func.func @body(%arg0: i32, %arg1: i32, %arg2: memref<256x128xf32, #tpu.memory_space<hbm>>, %arg3: memref<128x1024xf32, #tpu.memory_space<hbm>>, %arg4: memref<2x1024xf32, #tpu.memory_space<hbm>>, %arg5: memref<32x8xf32, #tpu.memory_space<hbm>>, %arg6: memref<8x128xf32, #tpu.memory_space<vmem>>, %arg7: memref<128x64xf32, #tpu.memory_space<vmem>>, %arg8: memref<2x4x64xi32, #tpu.memory_space<vmem>>, %arg9: memref<16x2x4x64xi32, #tpu.memory_space<vmem_shared>>, %arg10: memref<16x2x4x64xi32, #tpu.memory_space<vmem>>, %arg11: memref<2x1024xf32, #tpu.memory_space<vmem>>, %arg12: memref<16xf32, #tpu.memory_space<vmem>>, %arg13: memref<!tpu.dma_semaphore, #tpu.memory_space<semaphore_mem>>, %arg14: memref<!tpu.dma_semaphore, #tpu.memory_space<semaphore_mem>>, %arg15: memref<!tpu.dma_semaphore, #tpu.memory_space<semaphore_mem>>) attributes {dimension_semantics = [#tpu.dimension_semantics<core_parallel>, #tpu.dimension_semantics<subcore_parallel>], iteration_bounds = array<i64: 2, 16>, scalar_prefetch = 0 : i64, scratch_operands = 10 : i64, tpu.core_type = #tpu.core_type<sc_vector_subcore>, window_params = [{transform_indices = #map}, {transform_indices = #map}, {transform_indices = #map}, {transform_indices = #map}]} {
    %mul3A = arith.constant 16 : i32
    %mul3A_0 = arith.muli %arg0, %mul3A : i32
    %add3A = arith.addi %mul3A_0, %arg1 : i32
    %mul3A_1 = arith.constant 8 : i32
    %mul3A_2 = arith.muli %add3A, %mul3A_1 : i32
    %dma_start3A = arith.constant 0 : i32
    %dma_start3A_3 = tpu.memref_slice %arg2[%mul3A_2, %dma_start3A] : memref<256x128xf32, #tpu.memory_space<hbm>> -> memref<8x128xf32, #tpu.memory_space<hbm>>
    %dma_start3A_4 = arith.constant 0 : i32
    %dma_start3A_5 = tpu.memref_slice %arg2[%mul3A_2, %dma_start3A_4] : memref<256x128xf32, #tpu.memory_space<hbm>> -> memref<8x128xf32, #tpu.memory_space<hbm>>
    tpu.enqueue_dma source(%dma_start3A_5 : memref<8x128xf32, #tpu.memory_space<hbm>>) target(%arg6 : memref<8x128xf32, #tpu.memory_space<vmem>>) target_semaphore(%arg13 : memref<!tpu.dma_semaphore, #tpu.memory_space<semaphore_mem>>)
    %mul3A_6 = arith.constant 64 : i32
    %mul3A_7 = arith.muli %arg1, %mul3A_6 : i32
    %dma_start3A_8 = arith.constant 0 : i32
    %dma_start3A_9 = tpu.memref_slice %arg3[%dma_start3A_8, %mul3A_7] : memref<128x1024xf32, #tpu.memory_space<hbm>> -> memref<128x64xf32, #tpu.memory_space<hbm>>
    %dma_start3A_10 = arith.constant 0 : i32
    %dma_start3A_11 = tpu.memref_slice %arg3[%dma_start3A_10, %mul3A_7] : memref<128x1024xf32, #tpu.memory_space<hbm>> -> memref<128x64xf32, #tpu.memory_space<hbm>>
    tpu.enqueue_dma source(%dma_start3A_11 : memref<128x64xf32, #tpu.memory_space<hbm>>) target(%arg7 : memref<128x64xf32, #tpu.memory_space<vmem>>) target_semaphore(%arg14 : memref<!tpu.dma_semaphore, #tpu.memory_space<semaphore_mem>>)
    tpu.enqueue_dma source(%arg4 : memref<2x1024xf32, #tpu.memory_space<hbm>>) target(%arg11 : memref<2x1024xf32, #tpu.memory_space<vmem>>) target_semaphore(%arg15 : memref<!tpu.dma_semaphore, #tpu.memory_space<semaphore_mem>>)
    %iota3A = tpu.iota {dimensions = array<i32: 0>} : vector<16xi32>
    %broadcast_in_dim3A = arith.constant 1 : i32
    %broadcast_in_dim3A_12 = vector.broadcast %broadcast_in_dim3A : i32 to vector<16xi32>
    %shift_left3A = arith.shli %broadcast_in_dim3A_12, %iota3A : vector<16xi32>
    %broadcast_in_dim3A_13 = arith.constant 1 : i32
    %broadcast_in_dim3A_14 = vector.broadcast %broadcast_in_dim3A_13 : i32 to vector<16xi32>
    %dma_wait3A = arith.constant 0 : i32
    %dma_wait3A_15 = tpu.memref_slice %arg3[%dma_wait3A, %mul3A_7] : memref<128x1024xf32, #tpu.memory_space<hbm>> -> memref<128x64xf32, #tpu.memory_space<hbm>>
    %dma_wait3A_16 = arith.constant 0 : i32
    %dma_wait3A_17 = tpu.memref_slice %arg3[%dma_wait3A_16, %mul3A_7] : memref<128x1024xf32, #tpu.memory_space<hbm>> -> memref<128x64xf32, #tpu.memory_space<hbm>>
    tpu.wait_dma2 semaphore(%arg14 : memref<!tpu.dma_semaphore, #tpu.memory_space<semaphore_mem>>) src(%dma_wait3A_17 : memref<128x64xf32, #tpu.memory_space<hbm>>) dst(%arg7 : memref<128x64xf32, #tpu.memory_space<vmem>>)
    %scan3A = arith.constant 0 : i32
    %scan3A_18 = arith.constant 0 : i32
    %scan3A_19 = arith.constant 4 : i32
    %scan3A_20 = arith.addi %scan3A_18, %scan3A_19 : i32
    %scan3A_21 = arith.constant 1 : i32
    %scan3A_22 = scf.for %scan3A_53 = %scan3A_18 to %scan3A_20 step %scan3A_21 iter_args(%scan3A_54 = %scan3A) -> (i32)  : i32 {
      %broadcast_in_dim3A_55 = arith.constant 0 : i32
      %broadcast_in_dim3A_56 = vector.broadcast %broadcast_in_dim3A_55 : i32 to vector<16xi32>
      %scan3A_57 = arith.constant 0 : i32
      %scan3A_58 = arith.constant 32 : i32
      %scan3A_59 = arith.addi %scan3A_57, %scan3A_58 : i32
      %scan3A_60 = arith.constant 2 : i32
      %scan3A_61:8 = scf.for %scan3A_104 = %scan3A_57 to %scan3A_59 step %scan3A_60 iter_args(%scan3A_105 = %broadcast_in_dim3A_56, %scan3A_106 = %broadcast_in_dim3A_56, %scan3A_107 = %broadcast_in_dim3A_56, %scan3A_108 = %broadcast_in_dim3A_56, %scan3A_109 = %broadcast_in_dim3A_56, %scan3A_110 = %broadcast_in_dim3A_56, %scan3A_111 = %broadcast_in_dim3A_56, %scan3A_112 = %broadcast_in_dim3A_56) -> (vector<16xi32>, vector<16xi32>, vector<16xi32>, vector<16xi32>, vector<16xi32>, vector<16xi32>, vector<16xi32>, vector<16xi32>)  : i32 {
        %mul3A_113 = arith.constant 32 : i32
        %mul3A_114 = arith.muli %mul3A_113, %scan3A_53 : i32
        %add3A_115 = arith.addi %mul3A_114, %scan3A_104 : i32
        %broadcast_in_dim3A_116 = vector.broadcast %scan3A_104 : i32 to vector<16xi32>
        %get3A_117 = arith.index_cast %add3A_115 : i32 to index
        %get3A_118 = arith.constant 0 : index
        %get3A_119 = tpu.vector_load %arg7[%get3A_117, %get3A_118] {strides = array<i32>} : memref<128x64xf32, #tpu.memory_space<vmem>>, vector<16xf32>,
        %convert_element_type3A = arith.fptosi %get3A_119 : vector<16xf32> to vector<16xi32>
        %and3A = arith.andi %convert_element_type3A, %broadcast_in_dim3A_14 : vector<16xi32>
        %shift_right_arithmetic3A = arith.constant 1 : i32
        %shift_right_arithmetic3A_120 = vector.broadcast %shift_right_arithmetic3A : i32 to vector<16xi32>
        %shift_right_arithmetic3A_121 = arith.shrsi %convert_element_type3A, %shift_right_arithmetic3A_120 : vector<16xi32>
        %xor3A = arith.xori %shift_right_arithmetic3A_121, %broadcast_in_dim3A_14 : vector<16xi32>
        %shift_left3A_122 = arith.shli %and3A, %broadcast_in_dim3A_116 : vector<16xi32>
        %or3A = arith.ori %scan3A_105, %shift_left3A_122 : vector<16xi32>
        %shift_left3A_123 = arith.shli %xor3A, %broadcast_in_dim3A_116 : vector<16xi32>
        %or3A_124 = arith.ori %scan3A_109, %shift_left3A_123 : vector<16xi32>
        %get3A_125 = arith.index_cast %add3A_115 : i32 to index
        %get3A_126 = arith.constant 16 : index
        %get3A_127 = tpu.vector_load %arg7[%get3A_125, %get3A_126] {strides = array<i32>} : memref<128x64xf32, #tpu.memory_space<vmem>>, vector<16xf32>,
        %convert_element_type3A_128 = arith.fptosi %get3A_127 : vector<16xf32> to vector<16xi32>
        %and3A_129 = arith.andi %convert_element_type3A_128, %broadcast_in_dim3A_14 : vector<16xi32>
        %shift_right_arithmetic3A_130 = arith.constant 1 : i32
        %shift_right_arithmetic3A_131 = vector.broadcast %shift_right_arithmetic3A_130 : i32 to vector<16xi32>
        %shift_right_arithmetic3A_132 = arith.shrsi %convert_element_type3A_128, %shift_right_arithmetic3A_131 : vector<16xi32>
        %xor3A_133 = arith.xori %shift_right_arithmetic3A_132, %broadcast_in_dim3A_14 : vector<16xi32>
        %shift_left3A_134 = arith.shli %and3A_129, %broadcast_in_dim3A_116 : vector<16xi32>
        %or3A_135 = arith.ori %scan3A_106, %shift_left3A_134 : vector<16xi32>
        %shift_left3A_136 = arith.shli %xor3A_133, %broadcast_in_dim3A_116 : vector<16xi32>
        %or3A_137 = arith.ori %scan3A_110, %shift_left3A_136 : vector<16xi32>
        %get3A_138 = arith.index_cast %add3A_115 : i32 to index
        %get3A_139 = arith.constant 32 : index
        %get3A_140 = tpu.vector_load %arg7[%get3A_138, %get3A_139] {strides = array<i32>} : memref<128x64xf32, #tpu.memory_space<vmem>>, vector<16xf32>,
        %convert_element_type3A_141 = arith.fptosi %get3A_140 : vector<16xf32> to vector<16xi32>
        %and3A_142 = arith.andi %convert_element_type3A_141, %broadcast_in_dim3A_14 : vector<16xi32>
        %shift_right_arithmetic3A_143 = arith.constant 1 : i32
        %shift_right_arithmetic3A_144 = vector.broadcast %shift_right_arithmetic3A_143 : i32 to vector<16xi32>
        %shift_right_arithmetic3A_145 = arith.shrsi %convert_element_type3A_141, %shift_right_arithmetic3A_144 : vector<16xi32>
        %xor3A_146 = arith.xori %shift_right_arithmetic3A_145, %broadcast_in_dim3A_14 : vector<16xi32>
        %shift_left3A_147 = arith.shli %and3A_142, %broadcast_in_dim3A_116 : vector<16xi32>
        %or3A_148 = arith.ori %scan3A_107, %shift_left3A_147 : vector<16xi32>
        %shift_left3A_149 = arith.shli %xor3A_146, %broadcast_in_dim3A_116 : vector<16xi32>
        %or3A_150 = arith.ori %scan3A_111, %shift_left3A_149 : vector<16xi32>
        %get3A_151 = arith.index_cast %add3A_115 : i32 to index
        %get3A_152 = arith.constant 48 : index
        %get3A_153 = tpu.vector_load %arg7[%get3A_151, %get3A_152] {strides = array<i32>} : memref<128x64xf32, #tpu.memory_space<vmem>>, vector<16xf32>,
        %convert_element_type3A_154 = arith.fptosi %get3A_153 : vector<16xf32> to vector<16xi32>
        %and3A_155 = arith.andi %convert_element_type3A_154, %broadcast_in_dim3A_14 : vector<16xi32>
        %shift_right_arithmetic3A_156 = arith.constant 1 : i32
        %shift_right_arithmetic3A_157 = vector.broadcast %shift_right_arithmetic3A_156 : i32 to vector<16xi32>
        %shift_right_arithmetic3A_158 = arith.shrsi %convert_element_type3A_154, %shift_right_arithmetic3A_157 : vector<16xi32>
        %xor3A_159 = arith.xori %shift_right_arithmetic3A_158, %broadcast_in_dim3A_14 : vector<16xi32>
        %shift_left3A_160 = arith.shli %and3A_155, %broadcast_in_dim3A_116 : vector<16xi32>
        %or3A_161 = arith.ori %scan3A_108, %shift_left3A_160 : vector<16xi32>
        %shift_left3A_162 = arith.shli %xor3A_159, %broadcast_in_dim3A_116 : vector<16xi32>
        %or3A_163 = arith.ori %scan3A_112, %shift_left3A_162 : vector<16xi32>
        %scan3A_164 = arith.constant 1 : i32
        %scan3A_165 = arith.addi %scan3A_104, %scan3A_164 : i32
        %mul3A_166 = arith.constant 32 : i32
        %mul3A_167 = arith.muli %mul3A_166, %scan3A_53 : i32
        %add3A_168 = arith.addi %mul3A_167, %scan3A_165 : i32
        %broadcast_in_dim3A_169 = vector.broadcast %scan3A_165 : i32 to vector<16xi32>
        %get3A_170 = arith.index_cast %add3A_168 : i32 to index
        %get3A_171 = arith.constant 0 : index
        %get3A_172 = tpu.vector_load %arg7[%get3A_170, %get3A_171] {strides = array<i32>} : memref<128x64xf32, #tpu.memory_space<vmem>>, vector<16xf32>,
        %convert_element_type3A_173 = arith.fptosi %get3A_172 : vector<16xf32> to vector<16xi32>
        %and3A_174 = arith.andi %convert_element_type3A_173, %broadcast_in_dim3A_14 : vector<16xi32>
        %shift_right_arithmetic3A_175 = arith.constant 1 : i32
        %shift_right_arithmetic3A_176 = vector.broadcast %shift_right_arithmetic3A_175 : i32 to vector<16xi32>
        %shift_right_arithmetic3A_177 = arith.shrsi %convert_element_type3A_173, %shift_right_arithmetic3A_176 : vector<16xi32>
        %xor3A_178 = arith.xori %shift_right_arithmetic3A_177, %broadcast_in_dim3A_14 : vector<16xi32>
        %shift_left3A_179 = arith.shli %and3A_174, %broadcast_in_dim3A_169 : vector<16xi32>
        %or3A_180 = arith.ori %or3A, %shift_left3A_179 : vector<16xi32>
        %shift_left3A_181 = arith.shli %xor3A_178, %broadcast_in_dim3A_169 : vector<16xi32>
        %or3A_182 = arith.ori %or3A_124, %shift_left3A_181 : vector<16xi32>
        %get3A_183 = arith.index_cast %add3A_168 : i32 to index
        %get3A_184 = arith.constant 16 : index
        %get3A_185 = tpu.vector_load %arg7[%get3A_183, %get3A_184] {strides = array<i32>} : memref<128x64xf32, #tpu.memory_space<vmem>>, vector<16xf32>,
        %convert_element_type3A_186 = arith.fptosi %get3A_185 : vector<16xf32> to vector<16xi32>
        %and3A_187 = arith.andi %convert_element_type3A_186, %broadcast_in_dim3A_14 : vector<16xi32>
        %shift_right_arithmetic3A_188 = arith.constant 1 : i32
        %shift_right_arithmetic3A_189 = vector.broadcast %shift_right_arithmetic3A_188 : i32 to vector<16xi32>
        %shift_right_arithmetic3A_190 = arith.shrsi %convert_element_type3A_186, %shift_right_arithmetic3A_189 : vector<16xi32>
        %xor3A_191 = arith.xori %shift_right_arithmetic3A_190, %broadcast_in_dim3A_14 : vector<16xi32>
        %shift_left3A_192 = arith.shli %and3A_187, %broadcast_in_dim3A_169 : vector<16xi32>
        %or3A_193 = arith.ori %or3A_135, %shift_left3A_192 : vector<16xi32>
        %shift_left3A_194 = arith.shli %xor3A_191, %broadcast_in_dim3A_169 : vector<16xi32>
        %or3A_195 = arith.ori %or3A_137, %shift_left3A_194 : vector<16xi32>
        %get3A_196 = arith.index_cast %add3A_168 : i32 to index
        %get3A_197 = arith.constant 32 : index
        %get3A_198 = tpu.vector_load %arg7[%get3A_196, %get3A_197] {strides = array<i32>} : memref<128x64xf32, #tpu.memory_space<vmem>>, vector<16xf32>,
        %convert_element_type3A_199 = arith.fptosi %get3A_198 : vector<16xf32> to vector<16xi32>
        %and3A_200 = arith.andi %convert_element_type3A_199, %broadcast_in_dim3A_14 : vector<16xi32>
        %shift_right_arithmetic3A_201 = arith.constant 1 : i32
        %shift_right_arithmetic3A_202 = vector.broadcast %shift_right_arithmetic3A_201 : i32 to vector<16xi32>
        %shift_right_arithmetic3A_203 = arith.shrsi %convert_element_type3A_199, %shift_right_arithmetic3A_202 : vector<16xi32>
        %xor3A_204 = arith.xori %shift_right_arithmetic3A_203, %broadcast_in_dim3A_14 : vector<16xi32>
        %shift_left3A_205 = arith.shli %and3A_200, %broadcast_in_dim3A_169 : vector<16xi32>
        %or3A_206 = arith.ori %or3A_148, %shift_left3A_205 : vector<16xi32>
        %shift_left3A_207 = arith.shli %xor3A_204, %broadcast_in_dim3A_169 : vector<16xi32>
        %or3A_208 = arith.ori %or3A_150, %shift_left3A_207 : vector<16xi32>
        %get3A_209 = arith.index_cast %add3A_168 : i32 to index
        %get3A_210 = arith.constant 48 : index
        %get3A_211 = tpu.vector_load %arg7[%get3A_209, %get3A_210] {strides = array<i32>} : memref<128x64xf32, #tpu.memory_space<vmem>>, vector<16xf32>,
        %convert_element_type3A_212 = arith.fptosi %get3A_211 : vector<16xf32> to vector<16xi32>
        %and3A_213 = arith.andi %convert_element_type3A_212, %broadcast_in_dim3A_14 : vector<16xi32>
        %shift_right_arithmetic3A_214 = arith.constant 1 : i32
        %shift_right_arithmetic3A_215 = vector.broadcast %shift_right_arithmetic3A_214 : i32 to vector<16xi32>
        %shift_right_arithmetic3A_216 = arith.shrsi %convert_element_type3A_212, %shift_right_arithmetic3A_215 : vector<16xi32>
        %xor3A_217 = arith.xori %shift_right_arithmetic3A_216, %broadcast_in_dim3A_14 : vector<16xi32>
        %shift_left3A_218 = arith.shli %and3A_213, %broadcast_in_dim3A_169 : vector<16xi32>
        %or3A_219 = arith.ori %or3A_161, %shift_left3A_218 : vector<16xi32>
        %shift_left3A_220 = arith.shli %xor3A_217, %broadcast_in_dim3A_169 : vector<16xi32>
        %or3A_221 = arith.ori %or3A_163, %shift_left3A_220 : vector<16xi32>
        scf.yield %or3A_180, %or3A_193, %or3A_206, %or3A_219, %or3A_182, %or3A_195, %or3A_208, %or3A_221 : vector<16xi32>, vector<16xi32>, vector<16xi32>, vector<16xi32>, vector<16xi32>, vector<16xi32>, vector<16xi32>, vector<16xi32>
      }
      %scan3A_62 = arith.constant 32 : i32
      %swap3A_63 = arith.constant 0 : i32
      %swap3A_64 = arith.index_cast %swap3A_63 : i32 to index
      %swap3A_65 = arith.index_cast %scan3A_53 : i32 to index
      %swap3A_66 = arith.constant 0 : index
      %swap3A_67 = tpu.vector_load %arg8[%swap3A_64, %swap3A_65, %swap3A_66] {strides = array<i32>} : memref<2x4x64xi32, #tpu.memory_space<vmem>>, vector<16xi32>,
      tpu.vector_store %arg8[%swap3A_64, %swap3A_65, %swap3A_66], %scan3A_61#0 {strides = array<i32>} : memref<2x4x64xi32, #tpu.memory_space<vmem>>, vector<16xi32>,
      %swap3A_68 = arith.constant 1 : i32
      %swap3A_69 = arith.index_cast %swap3A_68 : i32 to index
      %swap3A_70 = arith.index_cast %scan3A_53 : i32 to index
      %swap3A_71 = arith.constant 0 : index
      %swap3A_72 = tpu.vector_load %arg8[%swap3A_69, %swap3A_70, %swap3A_71] {strides = array<i32>} : memref<2x4x64xi32, #tpu.memory_space<vmem>>, vector<16xi32>,
      tpu.vector_store %arg8[%swap3A_69, %swap3A_70, %swap3A_71], %scan3A_61#4 {strides = array<i32>} : memref<2x4x64xi32, #tpu.memory_space<vmem>>, vector<16xi32>,
      %swap3A_73 = arith.constant 0 : i32
      %swap3A_74 = arith.index_cast %swap3A_73 : i32 to index
      %swap3A_75 = arith.index_cast %scan3A_53 : i32 to index
      %swap3A_76 = arith.constant 16 : index
      %swap3A_77 = tpu.vector_load %arg8[%swap3A_74, %swap3A_75, %swap3A_76] {strides = array<i32>} : memref<2x4x64xi32, #tpu.memory_space<vmem>>, vector<16xi32>,
      tpu.vector_store %arg8[%swap3A_74, %swap3A_75, %swap3A_76], %scan3A_61#1 {strides = array<i32>} : memref<2x4x64xi32, #tpu.memory_space<vmem>>, vector<16xi32>,
      %swap3A_78 = arith.constant 1 : i32
      %swap3A_79 = arith.index_cast %swap3A_78 : i32 to index
      %swap3A_80 = arith.index_cast %scan3A_53 : i32 to index
      %swap3A_81 = arith.constant 16 : index
      %swap3A_82 = tpu.vector_load %arg8[%swap3A_79, %swap3A_80, %swap3A_81] {strides = array<i32>} : memref<2x4x64xi32, #tpu.memory_space<vmem>>, vector<16xi32>,
      tpu.vector_store %arg8[%swap3A_79, %swap3A_80, %swap3A_81], %scan3A_61#5 {strides = array<i32>} : memref<2x4x64xi32, #tpu.memory_space<vmem>>, vector<16xi32>,
      %swap3A_83 = arith.constant 0 : i32
      %swap3A_84 = arith.index_cast %swap3A_83 : i32 to index
      %swap3A_85 = arith.index_cast %scan3A_53 : i32 to index
      %swap3A_86 = arith.constant 32 : index
      %swap3A_87 = tpu.vector_load %arg8[%swap3A_84, %swap3A_85, %swap3A_86] {strides = array<i32>} : memref<2x4x64xi32, #tpu.memory_space<vmem>>, vector<16xi32>,
      tpu.vector_store %arg8[%swap3A_84, %swap3A_85, %swap3A_86], %scan3A_61#2 {strides = array<i32>} : memref<2x4x64xi32, #tpu.memory_space<vmem>>, vector<16xi32>,
      %swap3A_88 = arith.constant 1 : i32
      %swap3A_89 = arith.index_cast %swap3A_88 : i32 to index
      %swap3A_90 = arith.index_cast %scan3A_53 : i32 to index
      %swap3A_91 = arith.constant 32 : index
      %swap3A_92 = tpu.vector_load %arg8[%swap3A_89, %swap3A_90, %swap3A_91] {strides = array<i32>} : memref<2x4x64xi32, #tpu.memory_space<vmem>>, vector<16xi32>,
      tpu.vector_store %arg8[%swap3A_89, %swap3A_90, %swap3A_91], %scan3A_61#6 {strides = array<i32>} : memref<2x4x64xi32, #tpu.memory_space<vmem>>, vector<16xi32>,
      %swap3A_93 = arith.constant 0 : i32
      %swap3A_94 = arith.index_cast %swap3A_93 : i32 to index
      %swap3A_95 = arith.index_cast %scan3A_53 : i32 to index
      %swap3A_96 = arith.constant 48 : index
      %swap3A_97 = tpu.vector_load %arg8[%swap3A_94, %swap3A_95, %swap3A_96] {strides = array<i32>} : memref<2x4x64xi32, #tpu.memory_space<vmem>>, vector<16xi32>,
      tpu.vector_store %arg8[%swap3A_94, %swap3A_95, %swap3A_96], %scan3A_61#3 {strides = array<i32>} : memref<2x4x64xi32, #tpu.memory_space<vmem>>, vector<16xi32>,
      %swap3A_98 = arith.constant 1 : i32
      %swap3A_99 = arith.index_cast %swap3A_98 : i32 to index
      %swap3A_100 = arith.index_cast %scan3A_53 : i32 to index
      %swap3A_101 = arith.constant 48 : index
      %swap3A_102 = tpu.vector_load %arg8[%swap3A_99, %swap3A_100, %swap3A_101] {strides = array<i32>} : memref<2x4x64xi32, #tpu.memory_space<vmem>>, vector<16xi32>,
      tpu.vector_store %arg8[%swap3A_99, %swap3A_100, %swap3A_101], %scan3A_61#7 {strides = array<i32>} : memref<2x4x64xi32, #tpu.memory_space<vmem>>, vector<16xi32>,
      %scan3A_103 = arith.constant 0 : i32
      scf.yield %scan3A_103 : i32
    }
    %scan3A_23 = arith.constant 4 : i32
    "tpu.region"() ({
      %run_scoped3A = tpu.sem_alloc : memref<!tpu.dma_semaphore, #tpu.memory_space<semaphore_mem>>
      %dma_start3A_53 = arith.constant 0 : i32
      %dma_start3A_54 = arith.constant 0 : i32
      %dma_start3A_55 = arith.constant 0 : i32
      %dma_start3A_56 = tpu.memref_slice %arg9[%arg1, %dma_start3A_53, %dma_start3A_54, %dma_start3A_55] : memref<16x2x4x64xi32, #tpu.memory_space<vmem_shared>> -> memref<1x2x4x64xi32, #tpu.memory_space<vmem_shared>>
      %dma_start3A_57 = tpu.memref_squeeze %dma_start3A_56 : memref<1x2x4x64xi32, #tpu.memory_space<vmem_shared>> -> memref<2x4x64xi32, #tpu.memory_space<vmem_shared>>
      %dma_start3A_58 = arith.constant 0 : i32
      %dma_start3A_59 = arith.constant 0 : i32
      %dma_start3A_60 = arith.constant 0 : i32
      %dma_start3A_61 = tpu.memref_slice %arg9[%arg1, %dma_start3A_58, %dma_start3A_59, %dma_start3A_60] : memref<16x2x4x64xi32, #tpu.memory_space<vmem_shared>> -> memref<1x2x4x64xi32, #tpu.memory_space<vmem_shared>>
      %dma_start3A_62 = tpu.memref_squeeze %dma_start3A_61 : memref<1x2x4x64xi32, #tpu.memory_space<vmem_shared>> -> memref<2x4x64xi32, #tpu.memory_space<vmem_shared>>
      tpu.enqueue_dma source(%arg8 : memref<2x4x64xi32, #tpu.memory_space<vmem>>) target(%dma_start3A_62 : memref<2x4x64xi32, #tpu.memory_space<vmem_shared>>) target_semaphore(%run_scoped3A : memref<!tpu.dma_semaphore, #tpu.memory_space<semaphore_mem>>)
      %dma_wait3A_63 = arith.constant 0 : i32
      %dma_wait3A_64 = arith.constant 0 : i32
      %dma_wait3A_65 = arith.constant 0 : i32
      %dma_wait3A_66 = tpu.memref_slice %arg9[%arg1, %dma_wait3A_63, %dma_wait3A_64, %dma_wait3A_65] : memref<16x2x4x64xi32, #tpu.memory_space<vmem_shared>> -> memref<1x2x4x64xi32, #tpu.memory_space<vmem_shared>>
      %dma_wait3A_67 = tpu.memref_squeeze %dma_wait3A_66 : memref<1x2x4x64xi32, #tpu.memory_space<vmem_shared>> -> memref<2x4x64xi32, #tpu.memory_space<vmem_shared>>
      %dma_wait3A_68 = arith.constant 0 : i32
      %dma_wait3A_69 = arith.constant 0 : i32
      %dma_wait3A_70 = arith.constant 0 : i32
      %dma_wait3A_71 = tpu.memref_slice %arg9[%arg1, %dma_wait3A_68, %dma_wait3A_69, %dma_wait3A_70] : memref<16x2x4x64xi32, #tpu.memory_space<vmem_shared>> -> memref<1x2x4x64xi32, #tpu.memory_space<vmem_shared>>
      %dma_wait3A_72 = tpu.memref_squeeze %dma_wait3A_71 : memref<1x2x4x64xi32, #tpu.memory_space<vmem_shared>> -> memref<2x4x64xi32, #tpu.memory_space<vmem_shared>>
      tpu.wait_dma2 semaphore(%run_scoped3A : memref<!tpu.dma_semaphore, #tpu.memory_space<semaphore_mem>>) src(%arg8 : memref<2x4x64xi32, #tpu.memory_space<vmem>>) dst(%dma_wait3A_72 : memref<2x4x64xi32, #tpu.memory_space<vmem_shared>>)
      tpu.yield
    }) : () -> ()
    %barrier3A = arith.constant 0 : index
    tpu.barrier barrier_id(%barrier3A)
    "tpu.region"() ({
      %run_scoped3A = tpu.sem_alloc : memref<!tpu.dma_semaphore, #tpu.memory_space<semaphore_mem>>
      tpu.enqueue_dma source(%arg9 : memref<16x2x4x64xi32, #tpu.memory_space<vmem_shared>>) target(%arg10 : memref<16x2x4x64xi32, #tpu.memory_space<vmem>>) target_semaphore(%run_scoped3A : memref<!tpu.dma_semaphore, #tpu.memory_space<semaphore_mem>>)
      tpu.wait_dma2 semaphore(%run_scoped3A : memref<!tpu.dma_semaphore, #tpu.memory_space<semaphore_mem>>) src(%arg9 : memref<16x2x4x64xi32, #tpu.memory_space<vmem_shared>>) dst(%arg10 : memref<16x2x4x64xi32, #tpu.memory_space<vmem>>)
      tpu.yield
    }) : () -> ()
    %dma_wait3A_24 = arith.constant 0 : i32
    %dma_wait3A_25 = tpu.memref_slice %arg2[%mul3A_2, %dma_wait3A_24] : memref<256x128xf32, #tpu.memory_space<hbm>> -> memref<8x128xf32, #tpu.memory_space<hbm>>
    %dma_wait3A_26 = arith.constant 0 : i32
    %dma_wait3A_27 = tpu.memref_slice %arg2[%mul3A_2, %dma_wait3A_26] : memref<256x128xf32, #tpu.memory_space<hbm>> -> memref<8x128xf32, #tpu.memory_space<hbm>>
    tpu.wait_dma2 semaphore(%arg13 : memref<!tpu.dma_semaphore, #tpu.memory_space<semaphore_mem>>) src(%dma_wait3A_27 : memref<8x128xf32, #tpu.memory_space<hbm>>) dst(%arg6 : memref<8x128xf32, #tpu.memory_space<vmem>>)
    tpu.wait_dma2 semaphore(%arg15 : memref<!tpu.dma_semaphore, #tpu.memory_space<semaphore_mem>>) src(%arg4 : memref<2x1024xf32, #tpu.memory_space<hbm>>) dst(%arg11 : memref<2x1024xf32, #tpu.memory_space<vmem>>)
    %get3A = arith.constant 1 : i32
    %get3A_28 = arith.index_cast %get3A : i32 to index
    %get3A_29 = arith.constant 0 : index
    %get3A_30 = tpu.vector_load %arg11[%get3A_28, %get3A_29] {strides = array<i32>} : memref<2x1024xf32, #tpu.memory_space<vmem>>, vector<16xf32>,
    %broadcast_in_dim3A_31 = arith.constant 0 : i32
    %broadcast_in_dim3A_32 = vector.broadcast %broadcast_in_dim3A_31 : i32 to vector<16xi32>
    %broadcast_in_dim3A_33 = vector.shape_cast %broadcast_in_dim3A_32 : vector<16xi32> to vector<16x1xi32>
    %gather3A = vector.shape_cast %broadcast_in_dim3A_33 : vector<16x1xi32> to vector<16xi32>
    %gather3A_34 = tpu.dynamic_gather %get3A_30[%gather3A] in [0] : vector<16xf32>, vector<16xi32> -> vector<16xf32>
    %reduce_max3A = arith.constant true
    %reduce_max3A_35 = vector.broadcast %reduce_max3A : i1 to vector<16xi1>
    %reduce_max3A_36 = tpu.scan <max>, %gather3A_34 masked %reduce_max3A_35 : vector<16xf32>, vector<16xi1> -> vector<16xf32>
    %reduce_max3A_37 = vector.extract %reduce_max3A_36[15] : f32 from vector<16xf32>
    %broadcast_in_dim3A_38 = arith.constant 0.000000e+00 : f32
    %broadcast_in_dim3A_39 = vector.broadcast %broadcast_in_dim3A_38 : f32 to vector<16xf32>
    %broadcast_in_dim3A_40 = arith.constant 0 : i32
    %broadcast_in_dim3A_41 = vector.broadcast %broadcast_in_dim3A_40 : i32 to vector<16xi32>
    %broadcast_in_dim3A_42 = arith.constant 1024 : i32
    %broadcast_in_dim3A_43 = vector.broadcast %broadcast_in_dim3A_42 : i32 to vector<16xi32>
    %broadcast_in_dim3A_44 = arith.constant false
    %broadcast_in_dim3A_45 = vector.broadcast %broadcast_in_dim3A_44 : i1 to vector<16xi1>
    %scan3A_46 = arith.constant 0 : i32
    %scan3A_47 = arith.constant 4 : i32
    %scan3A_48 = arith.addi %scan3A_46, %scan3A_47 : i32
    %scan3A_49 = arith.constant 1 : i32
    %scan3A_50 = scf.for %scan3A_53 = %scan3A_46 to %scan3A_48 step %scan3A_49 iter_args(%scan3A_54 = %broadcast_in_dim3A_39) -> (vector<16xf32>)  : i32 {
      %mul3A_55 = arith.constant 2 : i32
      %mul3A_56 = arith.muli %mul3A_55, %scan3A_53 : i32
      %add3A_57 = arith.constant 0 : i32
      %add3A_58 = arith.addi %mul3A_56, %add3A_57 : i32
      %get3A_59 = arith.index_cast %add3A_58 : i32 to index
      %get3A_60 = arith.constant 0 : index
      %get3A_61 = tpu.vector_load %arg6[%get3A_59, %get3A_60] {strides = array<i32>} : memref<8x128xf32, #tpu.memory_space<vmem>>, vector<16xf32>,
      %convert_element_type3A = arith.fptosi %get3A_61 : vector<16xf32> to vector<16xi32>
      %mul3A_62 = arith.muli %convert_element_type3A, %shift_left3A : vector<16xi32>
      %reduce_sum3A = arith.constant true
      %reduce_sum3A_63 = vector.broadcast %reduce_sum3A : i1 to vector<16xi1>
      %reduce_sum3A_64 = tpu.scan <sum>, %mul3A_62 masked %reduce_sum3A_63 : vector<16xi32>, vector<16xi1> -> vector<16xi32>
      %reduce_sum3A_65 = vector.extract %reduce_sum3A_64[15] : i32 from vector<16xi32>
      %add3A_66 = arith.constant 0 : i32
      %add3A_67 = arith.addi %mul3A_56, %add3A_66 : i32
      %get3A_68 = arith.index_cast %add3A_67 : i32 to index
      %get3A_69 = arith.constant 16 : index
      %get3A_70 = tpu.vector_load %arg6[%get3A_68, %get3A_69] {strides = array<i32>} : memref<8x128xf32, #tpu.memory_space<vmem>>, vector<16xf32>,
      %convert_element_type3A_71 = arith.fptosi %get3A_70 : vector<16xf32> to vector<16xi32>
      %mul3A_72 = arith.muli %convert_element_type3A_71, %shift_left3A : vector<16xi32>
      %reduce_sum3A_73 = arith.constant true
      %reduce_sum3A_74 = vector.broadcast %reduce_sum3A_73 : i1 to vector<16xi1>
      %reduce_sum3A_75 = tpu.scan <sum>, %mul3A_72 masked %reduce_sum3A_74 : vector<16xi32>, vector<16xi1> -> vector<16xi32>
      %reduce_sum3A_76 = vector.extract %reduce_sum3A_75[15] : i32 from vector<16xi32>
      %shift_left3A_77 = arith.constant 16 : i32
      %shift_left3A_78 = arith.shli %reduce_sum3A_76, %shift_left3A_77 : i32
      %or3A = arith.ori %reduce_sum3A_65, %shift_left3A_78 : i32
      %broadcast_in_dim3A_79 = vector.broadcast %or3A : i32 to vector<16xi32>
      %add3A_80 = arith.constant 0 : i32
      %add3A_81 = arith.addi %mul3A_56, %add3A_80 : i32
      %get3A_82 = arith.index_cast %add3A_81 : i32 to index
      %get3A_83 = arith.constant 32 : index
      %get3A_84 = tpu.vector_load %arg6[%get3A_82, %get3A_83] {strides = array<i32>} : memref<8x128xf32, #tpu.memory_space<vmem>>, vector<16xf32>,
      %convert_element_type3A_85 = arith.fptosi %get3A_84 : vector<16xf32> to vector<16xi32>
      %mul3A_86 = arith.muli %convert_element_type3A_85, %shift_left3A : vector<16xi32>
      %reduce_sum3A_87 = arith.constant true
      %reduce_sum3A_88 = vector.broadcast %reduce_sum3A_87 : i1 to vector<16xi1>
      %reduce_sum3A_89 = tpu.scan <sum>, %mul3A_86 masked %reduce_sum3A_88 : vector<16xi32>, vector<16xi1> -> vector<16xi32>
      %reduce_sum3A_90 = vector.extract %reduce_sum3A_89[15] : i32 from vector<16xi32>
      %add3A_91 = arith.constant 0 : i32
      %add3A_92 = arith.addi %mul3A_56, %add3A_91 : i32
      %get3A_93 = arith.index_cast %add3A_92 : i32 to index
      %get3A_94 = arith.constant 48 : index
      %get3A_95 = tpu.vector_load %arg6[%get3A_93, %get3A_94] {strides = array<i32>} : memref<8x128xf32, #tpu.memory_space<vmem>>, vector<16xf32>,
      %convert_element_type3A_96 = arith.fptosi %get3A_95 : vector<16xf32> to vector<16xi32>
      %mul3A_97 = arith.muli %convert_element_type3A_96, %shift_left3A : vector<16xi32>
      %reduce_sum3A_98 = arith.constant true
      %reduce_sum3A_99 = vector.broadcast %reduce_sum3A_98 : i1 to vector<16xi1>
      %reduce_sum3A_100 = tpu.scan <sum>, %mul3A_97 masked %reduce_sum3A_99 : vector<16xi32>, vector<16xi1> -> vector<16xi32>
      %reduce_sum3A_101 = vector.extract %reduce_sum3A_100[15] : i32 from vector<16xi32>
      %shift_left3A_102 = arith.constant 16 : i32
      %shift_left3A_103 = arith.shli %reduce_sum3A_101, %shift_left3A_102 : i32
      %or3A_104 = arith.ori %reduce_sum3A_90, %shift_left3A_103 : i32
      %broadcast_in_dim3A_105 = vector.broadcast %or3A_104 : i32 to vector<16xi32>
      %add3A_106 = arith.constant 0 : i32
      %add3A_107 = arith.addi %mul3A_56, %add3A_106 : i32
      %get3A_108 = arith.index_cast %add3A_107 : i32 to index
      %get3A_109 = arith.constant 64 : index
      %get3A_110 = tpu.vector_load %arg6[%get3A_108, %get3A_109] {strides = array<i32>} : memref<8x128xf32, #tpu.memory_space<vmem>>, vector<16xf32>,
      %convert_element_type3A_111 = arith.fptosi %get3A_110 : vector<16xf32> to vector<16xi32>
      %mul3A_112 = arith.muli %convert_element_type3A_111, %shift_left3A : vector<16xi32>
      %reduce_sum3A_113 = arith.constant true
      %reduce_sum3A_114 = vector.broadcast %reduce_sum3A_113 : i1 to vector<16xi1>
      %reduce_sum3A_115 = tpu.scan <sum>, %mul3A_112 masked %reduce_sum3A_114 : vector<16xi32>, vector<16xi1> -> vector<16xi32>
      %reduce_sum3A_116 = vector.extract %reduce_sum3A_115[15] : i32 from vector<16xi32>
      %add3A_117 = arith.constant 0 : i32
      %add3A_118 = arith.addi %mul3A_56, %add3A_117 : i32
      %get3A_119 = arith.index_cast %add3A_118 : i32 to index
      %get3A_120 = arith.constant 80 : index
      %get3A_121 = tpu.vector_load %arg6[%get3A_119, %get3A_120] {strides = array<i32>} : memref<8x128xf32, #tpu.memory_space<vmem>>, vector<16xf32>,
      %convert_element_type3A_122 = arith.fptosi %get3A_121 : vector<16xf32> to vector<16xi32>
      %mul3A_123 = arith.muli %convert_element_type3A_122, %shift_left3A : vector<16xi32>
      %reduce_sum3A_124 = arith.constant true
      %reduce_sum3A_125 = vector.broadcast %reduce_sum3A_124 : i1 to vector<16xi1>
      %reduce_sum3A_126 = tpu.scan <sum>, %mul3A_123 masked %reduce_sum3A_125 : vector<16xi32>, vector<16xi1> -> vector<16xi32>
      %reduce_sum3A_127 = vector.extract %reduce_sum3A_126[15] : i32 from vector<16xi32>
      %shift_left3A_128 = arith.constant 16 : i32
      %shift_left3A_129 = arith.shli %reduce_sum3A_127, %shift_left3A_128 : i32
      %or3A_130 = arith.ori %reduce_sum3A_116, %shift_left3A_129 : i32
      %broadcast_in_dim3A_131 = vector.broadcast %or3A_130 : i32 to vector<16xi32>
      %add3A_132 = arith.constant 0 : i32
      %add3A_133 = arith.addi %mul3A_56, %add3A_132 : i32
      %get3A_134 = arith.index_cast %add3A_133 : i32 to index
      %get3A_135 = arith.constant 96 : index
      %get3A_136 = tpu.vector_load %arg6[%get3A_134, %get3A_135] {strides = array<i32>} : memref<8x128xf32, #tpu.memory_space<vmem>>, vector<16xf32>,
      %convert_element_type3A_137 = arith.fptosi %get3A_136 : vector<16xf32> to vector<16xi32>
      %mul3A_138 = arith.muli %convert_element_type3A_137, %shift_left3A : vector<16xi32>
      %reduce_sum3A_139 = arith.constant true
      %reduce_sum3A_140 = vector.broadcast %reduce_sum3A_139 : i1 to vector<16xi1>
      %reduce_sum3A_141 = tpu.scan <sum>, %mul3A_138 masked %reduce_sum3A_140 : vector<16xi32>, vector<16xi1> -> vector<16xi32>
      %reduce_sum3A_142 = vector.extract %reduce_sum3A_141[15] : i32 from vector<16xi32>
      %add3A_143 = arith.constant 0 : i32
      %add3A_144 = arith.addi %mul3A_56, %add3A_143 : i32
      %get3A_145 = arith.index_cast %add3A_144 : i32 to index
      %get3A_146 = arith.constant 112 : index
      %get3A_147 = tpu.vector_load %arg6[%get3A_145, %get3A_146] {strides = array<i32>} : memref<8x128xf32, #tpu.memory_space<vmem>>, vector<16xf32>,
      %convert_element_type3A_148 = arith.fptosi %get3A_147 : vector<16xf32> to vector<16xi32>
      %mul3A_149 = arith.muli %convert_element_type3A_148, %shift_left3A : vector<16xi32>
      %reduce_sum3A_150 = arith.constant true
      %reduce_sum3A_151 = vector.broadcast %reduce_sum3A_150 : i1 to vector<16xi1>
      %reduce_sum3A_152 = tpu.scan <sum>, %mul3A_149 masked %reduce_sum3A_151 : vector<16xi32>, vector<16xi1> -> vector<16xi32>
      %reduce_sum3A_153 = vector.extract %reduce_sum3A_152[15] : i32 from vector<16xi32>
      %shift_left3A_154 = arith.constant 16 : i32
      %shift_left3A_155 = arith.shli %reduce_sum3A_153, %shift_left3A_154 : i32
      %or3A_156 = arith.ori %reduce_sum3A_142, %shift_left3A_155 : i32
      %broadcast_in_dim3A_157 = vector.broadcast %or3A_156 : i32 to vector<16xi32>
      %add3A_158 = arith.constant 1 : i32
      %add3A_159 = arith.addi %mul3A_56, %add3A_158 : i32
      %get3A_160 = arith.index_cast %add3A_159 : i32 to index
      %get3A_161 = arith.constant 0 : index
      %get3A_162 = tpu.vector_load %arg6[%get3A_160, %get3A_161] {strides = array<i32>} : memref<8x128xf32, #tpu.memory_space<vmem>>, vector<16xf32>,
      %convert_element_type3A_163 = arith.fptosi %get3A_162 : vector<16xf32> to vector<16xi32>
      %mul3A_164 = arith.muli %convert_element_type3A_163, %shift_left3A : vector<16xi32>
      %reduce_sum3A_165 = arith.constant true
      %reduce_sum3A_166 = vector.broadcast %reduce_sum3A_165 : i1 to vector<16xi1>
      %reduce_sum3A_167 = tpu.scan <sum>, %mul3A_164 masked %reduce_sum3A_166 : vector<16xi32>, vector<16xi1> -> vector<16xi32>
      %reduce_sum3A_168 = vector.extract %reduce_sum3A_167[15] : i32 from vector<16xi32>
      %add3A_169 = arith.constant 1 : i32
      %add3A_170 = arith.addi %mul3A_56, %add3A_169 : i32
      %get3A_171 = arith.index_cast %add3A_170 : i32 to index
      %get3A_172 = arith.constant 16 : index
      %get3A_173 = tpu.vector_load %arg6[%get3A_171, %get3A_172] {strides = array<i32>} : memref<8x128xf32, #tpu.memory_space<vmem>>, vector<16xf32>,
      %convert_element_type3A_174 = arith.fptosi %get3A_173 : vector<16xf32> to vector<16xi32>
      %mul3A_175 = arith.muli %convert_element_type3A_174, %shift_left3A : vector<16xi32>
      %reduce_sum3A_176 = arith.constant true
      %reduce_sum3A_177 = vector.broadcast %reduce_sum3A_176 : i1 to vector<16xi1>
      %reduce_sum3A_178 = tpu.scan <sum>, %mul3A_175 masked %reduce_sum3A_177 : vector<16xi32>, vector<16xi1> -> vector<16xi32>
      %reduce_sum3A_179 = vector.extract %reduce_sum3A_178[15] : i32 from vector<16xi32>
      %shift_left3A_180 = arith.constant 16 : i32
      %shift_left3A_181 = arith.shli %reduce_sum3A_179, %shift_left3A_180 : i32
      %or3A_182 = arith.ori %reduce_sum3A_168, %shift_left3A_181 : i32
      %broadcast_in_dim3A_183 = vector.broadcast %or3A_182 : i32 to vector<16xi32>
      %add3A_184 = arith.constant 1 : i32
      %add3A_185 = arith.addi %mul3A_56, %add3A_184 : i32
      %get3A_186 = arith.index_cast %add3A_185 : i32 to index
      %get3A_187 = arith.constant 32 : index
      %get3A_188 = tpu.vector_load %arg6[%get3A_186, %get3A_187] {strides = array<i32>} : memref<8x128xf32, #tpu.memory_space<vmem>>, vector<16xf32>,
      %convert_element_type3A_189 = arith.fptosi %get3A_188 : vector<16xf32> to vector<16xi32>
      %mul3A_190 = arith.muli %convert_element_type3A_189, %shift_left3A : vector<16xi32>
      %reduce_sum3A_191 = arith.constant true
      %reduce_sum3A_192 = vector.broadcast %reduce_sum3A_191 : i1 to vector<16xi1>
      %reduce_sum3A_193 = tpu.scan <sum>, %mul3A_190 masked %reduce_sum3A_192 : vector<16xi32>, vector<16xi1> -> vector<16xi32>
      %reduce_sum3A_194 = vector.extract %reduce_sum3A_193[15] : i32 from vector<16xi32>
      %add3A_195 = arith.constant 1 : i32
      %add3A_196 = arith.addi %mul3A_56, %add3A_195 : i32
      %get3A_197 = arith.index_cast %add3A_196 : i32 to index
      %get3A_198 = arith.constant 48 : index
      %get3A_199 = tpu.vector_load %arg6[%get3A_197, %get3A_198] {strides = array<i32>} : memref<8x128xf32, #tpu.memory_space<vmem>>, vector<16xf32>,
      %convert_element_type3A_200 = arith.fptosi %get3A_199 : vector<16xf32> to vector<16xi32>
      %mul3A_201 = arith.muli %convert_element_type3A_200, %shift_left3A : vector<16xi32>
      %reduce_sum3A_202 = arith.constant true
      %reduce_sum3A_203 = vector.broadcast %reduce_sum3A_202 : i1 to vector<16xi1>
      %reduce_sum3A_204 = tpu.scan <sum>, %mul3A_201 masked %reduce_sum3A_203 : vector<16xi32>, vector<16xi1> -> vector<16xi32>
      %reduce_sum3A_205 = vector.extract %reduce_sum3A_204[15] : i32 from vector<16xi32>
      %shift_left3A_206 = arith.constant 16 : i32
      %shift_left3A_207 = arith.shli %reduce_sum3A_205, %shift_left3A_206 : i32
      %or3A_208 = arith.ori %reduce_sum3A_194, %shift_left3A_207 : i32
      %broadcast_in_dim3A_209 = vector.broadcast %or3A_208 : i32 to vector<16xi32>
      %add3A_210 = arith.constant 1 : i32
      %add3A_211 = arith.addi %mul3A_56, %add3A_210 : i32
      %get3A_212 = arith.index_cast %add3A_211 : i32 to index
      %get3A_213 = arith.constant 64 : index
      %get3A_214 = tpu.vector_load %arg6[%get3A_212, %get3A_213] {strides = array<i32>} : memref<8x128xf32, #tpu.memory_space<vmem>>, vector<16xf32>,
      %convert_element_type3A_215 = arith.fptosi %get3A_214 : vector<16xf32> to vector<16xi32>
      %mul3A_216 = arith.muli %convert_element_type3A_215, %shift_left3A : vector<16xi32>
      %reduce_sum3A_217 = arith.constant true
      %reduce_sum3A_218 = vector.broadcast %reduce_sum3A_217 : i1 to vector<16xi1>
      %reduce_sum3A_219 = tpu.scan <sum>, %mul3A_216 masked %reduce_sum3A_218 : vector<16xi32>, vector<16xi1> -> vector<16xi32>
      %reduce_sum3A_220 = vector.extract %reduce_sum3A_219[15] : i32 from vector<16xi32>
      %add3A_221 = arith.constant 1 : i32
      %add3A_222 = arith.addi %mul3A_56, %add3A_221 : i32
      %get3A_223 = arith.index_cast %add3A_222 : i32 to index
      %get3A_224 = arith.constant 80 : index
      %get3A_225 = tpu.vector_load %arg6[%get3A_223, %get3A_224] {strides = array<i32>} : memref<8x128xf32, #tpu.memory_space<vmem>>, vector<16xf32>,
      %convert_element_type3A_226 = arith.fptosi %get3A_225 : vector<16xf32> to vector<16xi32>
      %mul3A_227 = arith.muli %convert_element_type3A_226, %shift_left3A : vector<16xi32>
      %reduce_sum3A_228 = arith.constant true
      %reduce_sum3A_229 = vector.broadcast %reduce_sum3A_228 : i1 to vector<16xi1>
      %reduce_sum3A_230 = tpu.scan <sum>, %mul3A_227 masked %reduce_sum3A_229 : vector<16xi32>, vector<16xi1> -> vector<16xi32>
      %reduce_sum3A_231 = vector.extract %reduce_sum3A_230[15] : i32 from vector<16xi32>
      %shift_left3A_232 = arith.constant 16 : i32
      %shift_left3A_233 = arith.shli %reduce_sum3A_231, %shift_left3A_232 : i32
      %or3A_234 = arith.ori %reduce_sum3A_220, %shift_left3A_233 : i32
      %broadcast_in_dim3A_235 = vector.broadcast %or3A_234 : i32 to vector<16xi32>
      %add3A_236 = arith.constant 1 : i32
      %add3A_237 = arith.addi %mul3A_56, %add3A_236 : i32
      %get3A_238 = arith.index_cast %add3A_237 : i32 to index
      %get3A_239 = arith.constant 96 : index
      %get3A_240 = tpu.vector_load %arg6[%get3A_238, %get3A_239] {strides = array<i32>} : memref<8x128xf32, #tpu.memory_space<vmem>>, vector<16xf32>,
      %convert_element_type3A_241 = arith.fptosi %get3A_240 : vector<16xf32> to vector<16xi32>
      %mul3A_242 = arith.muli %convert_element_type3A_241, %shift_left3A : vector<16xi32>
      %reduce_sum3A_243 = arith.constant true
      %reduce_sum3A_244 = vector.broadcast %reduce_sum3A_243 : i1 to vector<16xi1>
      %reduce_sum3A_245 = tpu.scan <sum>, %mul3A_242 masked %reduce_sum3A_244 : vector<16xi32>, vector<16xi1> -> vector<16xi32>
      %reduce_sum3A_246 = vector.extract %reduce_sum3A_245[15] : i32 from vector<16xi32>
      %add3A_247 = arith.constant 1 : i32
      %add3A_248 = arith.addi %mul3A_56, %add3A_247 : i32
      %get3A_249 = arith.index_cast %add3A_248 : i32 to index
      %get3A_250 = arith.constant 112 : index
      %get3A_251 = tpu.vector_load %arg6[%get3A_249, %get3A_250] {strides = array<i32>} : memref<8x128xf32, #tpu.memory_space<vmem>>, vector<16xf32>,
      %convert_element_type3A_252 = arith.fptosi %get3A_251 : vector<16xf32> to vector<16xi32>
      %mul3A_253 = arith.muli %convert_element_type3A_252, %shift_left3A : vector<16xi32>
      %reduce_sum3A_254 = arith.constant true
      %reduce_sum3A_255 = vector.broadcast %reduce_sum3A_254 : i1 to vector<16xi1>
      %reduce_sum3A_256 = tpu.scan <sum>, %mul3A_253 masked %reduce_sum3A_255 : vector<16xi32>, vector<16xi1> -> vector<16xi32>
      %reduce_sum3A_257 = vector.extract %reduce_sum3A_256[15] : i32 from vector<16xi32>
      %shift_left3A_258 = arith.constant 16 : i32
      %shift_left3A_259 = arith.shli %reduce_sum3A_257, %shift_left3A_258 : i32
      %or3A_260 = arith.ori %reduce_sum3A_246, %shift_left3A_259 : i32
      %broadcast_in_dim3A_261 = vector.broadcast %or3A_260 : i32 to vector<16xi32>
      %scan3A_262 = arith.constant 0 : i32
      %scan3A_263 = arith.constant 16 : i32
      %scan3A_264 = arith.addi %scan3A_262, %scan3A_263 : i32
      %scan3A_265 = arith.constant 1 : i32
      %scan3A_266:8 = scf.for %scan3A_360 = %scan3A_262 to %scan3A_264 step %scan3A_265 iter_args(%scan3A_361 = %broadcast_in_dim3A_39, %scan3A_362 = %broadcast_in_dim3A_43, %scan3A_363 = %broadcast_in_dim3A_39, %scan3A_364 = %broadcast_in_dim3A_45, %scan3A_365 = %broadcast_in_dim3A_39, %scan3A_366 = %broadcast_in_dim3A_43, %scan3A_367 = %broadcast_in_dim3A_39, %scan3A_368 = %broadcast_in_dim3A_45) -> (vector<16xf32>, vector<16xi32>, vector<16xf32>, vector<16xi1>, vector<16xf32>, vector<16xi32>, vector<16xf32>, vector<16xi1>)  : i32 {
        %mul3A_369 = arith.constant 64 : i32
        %mul3A_370 = arith.muli %scan3A_360, %mul3A_369 : i32
        %add3A_371 = arith.constant 0 : i32
        %add3A_372 = arith.addi %mul3A_370, %add3A_371 : i32
        %get3A_373 = arith.constant 0 : i32
        %get3A_374 = arith.constant 0 : i32
        %get3A_375 = arith.index_cast %scan3A_360 : i32 to index
        %get3A_376 = arith.index_cast %get3A_373 : i32 to index
        %get3A_377 = arith.index_cast %get3A_374 : i32 to index
        %get3A_378 = arith.constant 0 : index
        %get3A_379 = tpu.vector_load %arg10[%get3A_375, %get3A_376, %get3A_377, %get3A_378] {strides = array<i32>} : memref<16x2x4x64xi32, #tpu.memory_space<vmem>>, vector<16xi32>,
        %get3A_380 = arith.constant 0 : i32
        %get3A_381 = arith.constant 1 : i32
        %get3A_382 = arith.index_cast %scan3A_360 : i32 to index
        %get3A_383 = arith.index_cast %get3A_380 : i32 to index
        %get3A_384 = arith.index_cast %get3A_381 : i32 to index
        %get3A_385 = arith.constant 0 : index
        %get3A_386 = tpu.vector_load %arg10[%get3A_382, %get3A_383, %get3A_384, %get3A_385] {strides = array<i32>} : memref<16x2x4x64xi32, #tpu.memory_space<vmem>>, vector<16xi32>,
        %get3A_387 = arith.constant 0 : i32
        %get3A_388 = arith.constant 2 : i32
        %get3A_389 = arith.index_cast %scan3A_360 : i32 to index
        %get3A_390 = arith.index_cast %get3A_387 : i32 to index
        %get3A_391 = arith.index_cast %get3A_388 : i32 to index
        %get3A_392 = arith.constant 0 : index
        %get3A_393 = tpu.vector_load %arg10[%get3A_389, %get3A_390, %get3A_391, %get3A_392] {strides = array<i32>} : memref<16x2x4x64xi32, #tpu.memory_space<vmem>>, vector<16xi32>,
        %get3A_394 = arith.constant 0 : i32
        %get3A_395 = arith.constant 3 : i32
        %get3A_396 = arith.index_cast %scan3A_360 : i32 to index
        %get3A_397 = arith.index_cast %get3A_394 : i32 to index
        %get3A_398 = arith.index_cast %get3A_395 : i32 to index
        %get3A_399 = arith.constant 0 : index
        %get3A_400 = tpu.vector_load %arg10[%get3A_396, %get3A_397, %get3A_398, %get3A_399] {strides = array<i32>} : memref<16x2x4x64xi32, #tpu.memory_space<vmem>>, vector<16xi32>,
        %get3A_401 = arith.constant 1 : i32
        %get3A_402 = arith.constant 0 : i32
        %get3A_403 = arith.index_cast %scan3A_360 : i32 to index
        %get3A_404 = arith.index_cast %get3A_401 : i32 to index
        %get3A_405 = arith.index_cast %get3A_402 : i32 to index
        %get3A_406 = arith.constant 0 : index
        %get3A_407 = tpu.vector_load %arg10[%get3A_403, %get3A_404, %get3A_405, %get3A_406] {strides = array<i32>} : memref<16x2x4x64xi32, #tpu.memory_space<vmem>>, vector<16xi32>,
        %get3A_408 = arith.constant 1 : i32
        %get3A_409 = arith.constant 1 : i32
        %get3A_410 = arith.index_cast %scan3A_360 : i32 to index
        %get3A_411 = arith.index_cast %get3A_408 : i32 to index
        %get3A_412 = arith.index_cast %get3A_409 : i32 to index
        %get3A_413 = arith.constant 0 : index
        %get3A_414 = tpu.vector_load %arg10[%get3A_410, %get3A_411, %get3A_412, %get3A_413] {strides = array<i32>} : memref<16x2x4x64xi32, #tpu.memory_space<vmem>>, vector<16xi32>,
        %get3A_415 = arith.constant 1 : i32
        %get3A_416 = arith.constant 2 : i32
        %get3A_417 = arith.index_cast %scan3A_360 : i32 to index
        %get3A_418 = arith.index_cast %get3A_415 : i32 to index
        %get3A_419 = arith.index_cast %get3A_416 : i32 to index
        %get3A_420 = arith.constant 0 : index
        %get3A_421 = tpu.vector_load %arg10[%get3A_417, %get3A_418, %get3A_419, %get3A_420] {strides = array<i32>} : memref<16x2x4x64xi32, #tpu.memory_space<vmem>>, vector<16xi32>,
        %get3A_422 = arith.constant 1 : i32
        %get3A_423 = arith.constant 3 : i32
        %get3A_424 = arith.index_cast %scan3A_360 : i32 to index
        %get3A_425 = arith.index_cast %get3A_422 : i32 to index
        %get3A_426 = arith.index_cast %get3A_423 : i32 to index
        %get3A_427 = arith.constant 0 : index
        %get3A_428 = tpu.vector_load %arg10[%get3A_424, %get3A_425, %get3A_426, %get3A_427] {strides = array<i32>} : memref<16x2x4x64xi32, #tpu.memory_space<vmem>>, vector<16xi32>,
        %get3A_429 = arith.constant 0 : i32
        %get3A_430 = arith.index_cast %get3A_429 : i32 to index
        %get3A_431 = arith.index_cast %add3A_372 : i32 to index
        %get3A_432 = tpu.vector_load %arg11[%get3A_430, %get3A_431] {strides = array<i32>} : memref<2x1024xf32, #tpu.memory_space<vmem>>, vector<16xf32>,
        %get3A_433 = arith.constant 1 : i32
        %get3A_434 = arith.index_cast %get3A_433 : i32 to index
        %get3A_435 = arith.index_cast %add3A_372 : i32 to index
        %get3A_436 = tpu.vector_load %arg11[%get3A_434, %get3A_435] {strides = array<i32>} : memref<2x1024xf32, #tpu.memory_space<vmem>>, vector<16xf32>,
        %add3A_437 = vector.broadcast %add3A_372 : i32 to vector<16xi32>
        %add3A_438 = arith.addi %add3A_437, %iota3A : vector<16xi32>
        %xor3A = arith.xori %broadcast_in_dim3A_79, %get3A_379 : vector<16xi32>
        %and3A_439 = arith.andi %xor3A, %get3A_407 : vector<16xi32>
        %xor3A_440 = arith.xori %broadcast_in_dim3A_105, %get3A_386 : vector<16xi32>
        %and3A_441 = arith.andi %xor3A_440, %get3A_414 : vector<16xi32>
        %or3A_442 = arith.ori %and3A_439, %and3A_441 : vector<16xi32>
        %xor3A_443 = arith.xori %broadcast_in_dim3A_131, %get3A_393 : vector<16xi32>
        %and3A_444 = arith.andi %xor3A_443, %get3A_421 : vector<16xi32>
        %or3A_445 = arith.ori %or3A_442, %and3A_444 : vector<16xi32>
        %xor3A_446 = arith.xori %broadcast_in_dim3A_157, %get3A_400 : vector<16xi32>
        %and3A_447 = arith.andi %xor3A_446, %get3A_428 : vector<16xi32>
        %or3A_448 = arith.ori %or3A_445, %and3A_447 : vector<16xi32>
        %eq3A_449 = arith.cmpi eq, %or3A_448, %broadcast_in_dim3A_41 : vector<16xi32>
        %gt3A_450 = arith.cmpf ogt, %get3A_432, %scan3A_361 : vector<16xf32>
        %and3A_451 = arith.andi %eq3A_449, %gt3A_450 : vector<16xi1>
        %select_n3A_452 = arith.select %and3A_451, %get3A_432, %scan3A_361 : vector<16xi1>, vector<16xf32>
        %select_n3A_453 = arith.select %and3A_451, %add3A_438, %scan3A_362 : vector<16xi1>, vector<16xi32>
        %select_n3A_454 = arith.select %and3A_451, %get3A_436, %scan3A_363 : vector<16xi1>, vector<16xf32>
        %or3A_455 = arith.ori %scan3A_364, %eq3A_449 : vector<16xi1>
        %xor3A_456 = arith.xori %broadcast_in_dim3A_183, %get3A_379 : vector<16xi32>
        %and3A_457 = arith.andi %xor3A_456, %get3A_407 : vector<16xi32>
        %xor3A_458 = arith.xori %broadcast_in_dim3A_209, %get3A_386 : vector<16xi32>
        %and3A_459 = arith.andi %xor3A_458, %get3A_414 : vector<16xi32>
        %or3A_460 = arith.ori %and3A_457, %and3A_459 : vector<16xi32>
        %xor3A_461 = arith.xori %broadcast_in_dim3A_235, %get3A_393 : vector<16xi32>
        %and3A_462 = arith.andi %xor3A_461, %get3A_421 : vector<16xi32>
        %or3A_463 = arith.ori %or3A_460, %and3A_462 : vector<16xi32>
        %xor3A_464 = arith.xori %broadcast_in_dim3A_261, %get3A_400 : vector<16xi32>
        %and3A_465 = arith.andi %xor3A_464, %get3A_428 : vector<16xi32>
        %or3A_466 = arith.ori %or3A_463, %and3A_465 : vector<16xi32>
        %eq3A_467 = arith.cmpi eq, %or3A_466, %broadcast_in_dim3A_41 : vector<16xi32>
        %gt3A_468 = arith.cmpf ogt, %get3A_432, %scan3A_365 : vector<16xf32>
        %and3A_469 = arith.andi %eq3A_467, %gt3A_468 : vector<16xi1>
        %select_n3A_470 = arith.select %and3A_469, %get3A_432, %scan3A_365 : vector<16xi1>, vector<16xf32>
        %select_n3A_471 = arith.select %and3A_469, %add3A_438, %scan3A_366 : vector<16xi1>, vector<16xi32>
        %select_n3A_472 = arith.select %and3A_469, %get3A_436, %scan3A_367 : vector<16xi1>, vector<16xf32>
        %or3A_473 = arith.ori %scan3A_368, %eq3A_467 : vector<16xi1>
        %mul3A_474 = arith.constant 64 : i32
        %mul3A_475 = arith.muli %scan3A_360, %mul3A_474 : i32
        %add3A_476 = arith.constant 16 : i32
        %add3A_477 = arith.addi %mul3A_475, %add3A_476 : i32
        %get3A_478 = arith.constant 0 : i32
        %get3A_479 = arith.constant 0 : i32
        %get3A_480 = arith.index_cast %scan3A_360 : i32 to index
        %get3A_481 = arith.index_cast %get3A_478 : i32 to index
        %get3A_482 = arith.index_cast %get3A_479 : i32 to index
        %get3A_483 = arith.constant 16 : index
        %get3A_484 = tpu.vector_load %arg10[%get3A_480, %get3A_481, %get3A_482, %get3A_483] {strides = array<i32>} : memref<16x2x4x64xi32, #tpu.memory_space<vmem>>, vector<16xi32>,
        %get3A_485 = arith.constant 0 : i32
        %get3A_486 = arith.constant 1 : i32
        %get3A_487 = arith.index_cast %scan3A_360 : i32 to index
        %get3A_488 = arith.index_cast %get3A_485 : i32 to index
        %get3A_489 = arith.index_cast %get3A_486 : i32 to index
        %get3A_490 = arith.constant 16 : index
        %get3A_491 = tpu.vector_load %arg10[%get3A_487, %get3A_488, %get3A_489, %get3A_490] {strides = array<i32>} : memref<16x2x4x64xi32, #tpu.memory_space<vmem>>, vector<16xi32>,
        %get3A_492 = arith.constant 0 : i32
        %get3A_493 = arith.constant 2 : i32
        %get3A_494 = arith.index_cast %scan3A_360 : i32 to index
        %get3A_495 = arith.index_cast %get3A_492 : i32 to index
        %get3A_496 = arith.index_cast %get3A_493 : i32 to index
        %get3A_497 = arith.constant 16 : index
        %get3A_498 = tpu.vector_load %arg10[%get3A_494, %get3A_495, %get3A_496, %get3A_497] {strides = array<i32>} : memref<16x2x4x64xi32, #tpu.memory_space<vmem>>, vector<16xi32>,
        %get3A_499 = arith.constant 0 : i32
        %get3A_500 = arith.constant 3 : i32
        %get3A_501 = arith.index_cast %scan3A_360 : i32 to index
        %get3A_502 = arith.index_cast %get3A_499 : i32 to index
        %get3A_503 = arith.index_cast %get3A_500 : i32 to index
        %get3A_504 = arith.constant 16 : index
        %get3A_505 = tpu.vector_load %arg10[%get3A_501, %get3A_502, %get3A_503, %get3A_504] {strides = array<i32>} : memref<16x2x4x64xi32, #tpu.memory_space<vmem>>, vector<16xi32>,
        %get3A_506 = arith.constant 1 : i32
        %get3A_507 = arith.constant 0 : i32
        %get3A_508 = arith.index_cast %scan3A_360 : i32 to index
        %get3A_509 = arith.index_cast %get3A_506 : i32 to index
        %get3A_510 = arith.index_cast %get3A_507 : i32 to index
        %get3A_511 = arith.constant 16 : index
        %get3A_512 = tpu.vector_load %arg10[%get3A_508, %get3A_509, %get3A_510, %get3A_511] {strides = array<i32>} : memref<16x2x4x64xi32, #tpu.memory_space<vmem>>, vector<16xi32>,
        %get3A_513 = arith.constant 1 : i32
        %get3A_514 = arith.constant 1 : i32
        %get3A_515 = arith.index_cast %scan3A_360 : i32 to index
        %get3A_516 = arith.index_cast %get3A_513 : i32 to index
        %get3A_517 = arith.index_cast %get3A_514 : i32 to index
        %get3A_518 = arith.constant 16 : index
        %get3A_519 = tpu.vector_load %arg10[%get3A_515, %get3A_516, %get3A_517, %get3A_518] {strides = array<i32>} : memref<16x2x4x64xi32, #tpu.memory_space<vmem>>, vector<16xi32>,
        %get3A_520 = arith.constant 1 : i32
        %get3A_521 = arith.constant 2 : i32
        %get3A_522 = arith.index_cast %scan3A_360 : i32 to index
        %get3A_523 = arith.index_cast %get3A_520 : i32 to index
        %get3A_524 = arith.index_cast %get3A_521 : i32 to index
        %get3A_525 = arith.constant 16 : index
        %get3A_526 = tpu.vector_load %arg10[%get3A_522, %get3A_523, %get3A_524, %get3A_525] {strides = array<i32>} : memref<16x2x4x64xi32, #tpu.memory_space<vmem>>, vector<16xi32>,
        %get3A_527 = arith.constant 1 : i32
        %get3A_528 = arith.constant 3 : i32
        %get3A_529 = arith.index_cast %scan3A_360 : i32 to index
        %get3A_530 = arith.index_cast %get3A_527 : i32 to index
        %get3A_531 = arith.index_cast %get3A_528 : i32 to index
        %get3A_532 = arith.constant 16 : index
        %get3A_533 = tpu.vector_load %arg10[%get3A_529, %get3A_530, %get3A_531, %get3A_532] {strides = array<i32>} : memref<16x2x4x64xi32, #tpu.memory_space<vmem>>, vector<16xi32>,
        %get3A_534 = arith.constant 0 : i32
        %get3A_535 = arith.index_cast %get3A_534 : i32 to index
        %get3A_536 = arith.index_cast %add3A_477 : i32 to index
        %get3A_537 = tpu.vector_load %arg11[%get3A_535, %get3A_536] {strides = array<i32>} : memref<2x1024xf32, #tpu.memory_space<vmem>>, vector<16xf32>,
        %get3A_538 = arith.constant 1 : i32
        %get3A_539 = arith.index_cast %get3A_538 : i32 to index
        %get3A_540 = arith.index_cast %add3A_477 : i32 to index
        %get3A_541 = tpu.vector_load %arg11[%get3A_539, %get3A_540] {strides = array<i32>} : memref<2x1024xf32, #tpu.memory_space<vmem>>, vector<16xf32>,
        %add3A_542 = vector.broadcast %add3A_477 : i32 to vector<16xi32>
        %add3A_543 = arith.addi %add3A_542, %iota3A : vector<16xi32>
        %xor3A_544 = arith.xori %broadcast_in_dim3A_79, %get3A_484 : vector<16xi32>
        %and3A_545 = arith.andi %xor3A_544, %get3A_512 : vector<16xi32>
        %xor3A_546 = arith.xori %broadcast_in_dim3A_105, %get3A_491 : vector<16xi32>
        %and3A_547 = arith.andi %xor3A_546, %get3A_519 : vector<16xi32>
        %or3A_548 = arith.ori %and3A_545, %and3A_547 : vector<16xi32>
        %xor3A_549 = arith.xori %broadcast_in_dim3A_131, %get3A_498 : vector<16xi32>
        %and3A_550 = arith.andi %xor3A_549, %get3A_526 : vector<16xi32>
        %or3A_551 = arith.ori %or3A_548, %and3A_550 : vector<16xi32>
        %xor3A_552 = arith.xori %broadcast_in_dim3A_157, %get3A_505 : vector<16xi32>
        %and3A_553 = arith.andi %xor3A_552, %get3A_533 : vector<16xi32>
        %or3A_554 = arith.ori %or3A_551, %and3A_553 : vector<16xi32>
        %eq3A_555 = arith.cmpi eq, %or3A_554, %broadcast_in_dim3A_41 : vector<16xi32>
        %gt3A_556 = arith.cmpf ogt, %get3A_537, %select_n3A_452 : vector<16xf32>
        %and3A_557 = arith.andi %eq3A_555, %gt3A_556 : vector<16xi1>
        %select_n3A_558 = arith.select %and3A_557, %get3A_537, %select_n3A_452 : vector<16xi1>, vector<16xf32>
        %select_n3A_559 = arith.select %and3A_557, %add3A_543, %select_n3A_453 : vector<16xi1>, vector<16xi32>
        %select_n3A_560 = arith.select %and3A_557, %get3A_541, %select_n3A_454 : vector<16xi1>, vector<16xf32>
        %or3A_561 = arith.ori %or3A_455, %eq3A_555 : vector<16xi1>
        %xor3A_562 = arith.xori %broadcast_in_dim3A_183, %get3A_484 : vector<16xi32>
        %and3A_563 = arith.andi %xor3A_562, %get3A_512 : vector<16xi32>
        %xor3A_564 = arith.xori %broadcast_in_dim3A_209, %get3A_491 : vector<16xi32>
        %and3A_565 = arith.andi %xor3A_564, %get3A_519 : vector<16xi32>
        %or3A_566 = arith.ori %and3A_563, %and3A_565 : vector<16xi32>
        %xor3A_567 = arith.xori %broadcast_in_dim3A_235, %get3A_498 : vector<16xi32>
        %and3A_568 = arith.andi %xor3A_567, %get3A_526 : vector<16xi32>
        %or3A_569 = arith.ori %or3A_566, %and3A_568 : vector<16xi32>
        %xor3A_570 = arith.xori %broadcast_in_dim3A_261, %get3A_505 : vector<16xi32>
        %and3A_571 = arith.andi %xor3A_570, %get3A_533 : vector<16xi32>
        %or3A_572 = arith.ori %or3A_569, %and3A_571 : vector<16xi32>
        %eq3A_573 = arith.cmpi eq, %or3A_572, %broadcast_in_dim3A_41 : vector<16xi32>
        %gt3A_574 = arith.cmpf ogt, %get3A_537, %select_n3A_470 : vector<16xf32>
        %and3A_575 = arith.andi %eq3A_573, %gt3A_574 : vector<16xi1>
        %select_n3A_576 = arith.select %and3A_575, %get3A_537, %select_n3A_470 : vector<16xi1>, vector<16xf32>
        %select_n3A_577 = arith.select %and3A_575, %add3A_543, %select_n3A_471 : vector<16xi1>, vector<16xi32>
        %select_n3A_578 = arith.select %and3A_575, %get3A_541, %select_n3A_472 : vector<16xi1>, vector<16xf32>
        %or3A_579 = arith.ori %or3A_473, %eq3A_573 : vector<16xi1>
        %mul3A_580 = arith.constant 64 : i32
        %mul3A_581 = arith.muli %scan3A_360, %mul3A_580 : i32
        %add3A_582 = arith.constant 32 : i32
        %add3A_583 = arith.addi %mul3A_581, %add3A_582 : i32
        %get3A_584 = arith.constant 0 : i32
        %get3A_585 = arith.constant 0 : i32
        %get3A_586 = arith.index_cast %scan3A_360 : i32 to index
        %get3A_587 = arith.index_cast %get3A_584 : i32 to index
        %get3A_588 = arith.index_cast %get3A_585 : i32 to index
        %get3A_589 = arith.constant 32 : index
        %get3A_590 = tpu.vector_load %arg10[%get3A_586, %get3A_587, %get3A_588, %get3A_589] {strides = array<i32>} : memref<16x2x4x64xi32, #tpu.memory_space<vmem>>, vector<16xi32>,
        %get3A_591 = arith.constant 0 : i32
        %get3A_592 = arith.constant 1 : i32
        %get3A_593 = arith.index_cast %scan3A_360 : i32 to index
        %get3A_594 = arith.index_cast %get3A_591 : i32 to index
        %get3A_595 = arith.index_cast %get3A_592 : i32 to index
        %get3A_596 = arith.constant 32 : index
        %get3A_597 = tpu.vector_load %arg10[%get3A_593, %get3A_594, %get3A_595, %get3A_596] {strides = array<i32>} : memref<16x2x4x64xi32, #tpu.memory_space<vmem>>, vector<16xi32>,
        %get3A_598 = arith.constant 0 : i32
        %get3A_599 = arith.constant 2 : i32
        %get3A_600 = arith.index_cast %scan3A_360 : i32 to index
        %get3A_601 = arith.index_cast %get3A_598 : i32 to index
        %get3A_602 = arith.index_cast %get3A_599 : i32 to index
        %get3A_603 = arith.constant 32 : index
        %get3A_604 = tpu.vector_load %arg10[%get3A_600, %get3A_601, %get3A_602, %get3A_603] {strides = array<i32>} : memref<16x2x4x64xi32, #tpu.memory_space<vmem>>, vector<16xi32>,
        %get3A_605 = arith.constant 0 : i32
        %get3A_606 = arith.constant 3 : i32
        %get3A_607 = arith.index_cast %scan3A_360 : i32 to index
        %get3A_608 = arith.index_cast %get3A_605 : i32 to index
        %get3A_609 = arith.index_cast %get3A_606 : i32 to index
        %get3A_610 = arith.constant 32 : index
        %get3A_611 = tpu.vector_load %arg10[%get3A_607, %get3A_608, %get3A_609, %get3A_610] {strides = array<i32>} : memref<16x2x4x64xi32, #tpu.memory_space<vmem>>, vector<16xi32>,
        %get3A_612 = arith.constant 1 : i32
        %get3A_613 = arith.constant 0 : i32
        %get3A_614 = arith.index_cast %scan3A_360 : i32 to index
        %get3A_615 = arith.index_cast %get3A_612 : i32 to index
        %get3A_616 = arith.index_cast %get3A_613 : i32 to index
        %get3A_617 = arith.constant 32 : index
        %get3A_618 = tpu.vector_load %arg10[%get3A_614, %get3A_615, %get3A_616, %get3A_617] {strides = array<i32>} : memref<16x2x4x64xi32, #tpu.memory_space<vmem>>, vector<16xi32>,
        %get3A_619 = arith.constant 1 : i32
        %get3A_620 = arith.constant 1 : i32
        %get3A_621 = arith.index_cast %scan3A_360 : i32 to index
        %get3A_622 = arith.index_cast %get3A_619 : i32 to index
        %get3A_623 = arith.index_cast %get3A_620 : i32 to index
        %get3A_624 = arith.constant 32 : index
        %get3A_625 = tpu.vector_load %arg10[%get3A_621, %get3A_622, %get3A_623, %get3A_624] {strides = array<i32>} : memref<16x2x4x64xi32, #tpu.memory_space<vmem>>, vector<16xi32>,
        %get3A_626 = arith.constant 1 : i32
        %get3A_627 = arith.constant 2 : i32
        %get3A_628 = arith.index_cast %scan3A_360 : i32 to index
        %get3A_629 = arith.index_cast %get3A_626 : i32 to index
        %get3A_630 = arith.index_cast %get3A_627 : i32 to index
        %get3A_631 = arith.constant 32 : index
        %get3A_632 = tpu.vector_load %arg10[%get3A_628, %get3A_629, %get3A_630, %get3A_631] {strides = array<i32>} : memref<16x2x4x64xi32, #tpu.memory_space<vmem>>, vector<16xi32>,
        %get3A_633 = arith.constant 1 : i32
        %get3A_634 = arith.constant 3 : i32
        %get3A_635 = arith.index_cast %scan3A_360 : i32 to index
        %get3A_636 = arith.index_cast %get3A_633 : i32 to index
        %get3A_637 = arith.index_cast %get3A_634 : i32 to index
        %get3A_638 = arith.constant 32 : index
        %get3A_639 = tpu.vector_load %arg10[%get3A_635, %get3A_636, %get3A_637, %get3A_638] {strides = array<i32>} : memref<16x2x4x64xi32, #tpu.memory_space<vmem>>, vector<16xi32>,
        %get3A_640 = arith.constant 0 : i32
        %get3A_641 = arith.index_cast %get3A_640 : i32 to index
        %get3A_642 = arith.index_cast %add3A_583 : i32 to index
        %get3A_643 = tpu.vector_load %arg11[%get3A_641, %get3A_642] {strides = array<i32>} : memref<2x1024xf32, #tpu.memory_space<vmem>>, vector<16xf32>,
        %get3A_644 = arith.constant 1 : i32
        %get3A_645 = arith.index_cast %get3A_644 : i32 to index
        %get3A_646 = arith.index_cast %add3A_583 : i32 to index
        %get3A_647 = tpu.vector_load %arg11[%get3A_645, %get3A_646] {strides = array<i32>} : memref<2x1024xf32, #tpu.memory_space<vmem>>, vector<16xf32>,
        %add3A_648 = vector.broadcast %add3A_583 : i32 to vector<16xi32>
        %add3A_649 = arith.addi %add3A_648, %iota3A : vector<16xi32>
        %xor3A_650 = arith.xori %broadcast_in_dim3A_79, %get3A_590 : vector<16xi32>
        %and3A_651 = arith.andi %xor3A_650, %get3A_618 : vector<16xi32>
        %xor3A_652 = arith.xori %broadcast_in_dim3A_105, %get3A_597 : vector<16xi32>
        %and3A_653 = arith.andi %xor3A_652, %get3A_625 : vector<16xi32>
        %or3A_654 = arith.ori %and3A_651, %and3A_653 : vector<16xi32>
        %xor3A_655 = arith.xori %broadcast_in_dim3A_131, %get3A_604 : vector<16xi32>
        %and3A_656 = arith.andi %xor3A_655, %get3A_632 : vector<16xi32>
        %or3A_657 = arith.ori %or3A_654, %and3A_656 : vector<16xi32>
        %xor3A_658 = arith.xori %broadcast_in_dim3A_157, %get3A_611 : vector<16xi32>
        %and3A_659 = arith.andi %xor3A_658, %get3A_639 : vector<16xi32>
        %or3A_660 = arith.ori %or3A_657, %and3A_659 : vector<16xi32>
        %eq3A_661 = arith.cmpi eq, %or3A_660, %broadcast_in_dim3A_41 : vector<16xi32>
        %gt3A_662 = arith.cmpf ogt, %get3A_643, %select_n3A_558 : vector<16xf32>
        %and3A_663 = arith.andi %eq3A_661, %gt3A_662 : vector<16xi1>
        %select_n3A_664 = arith.select %and3A_663, %get3A_643, %select_n3A_558 : vector<16xi1>, vector<16xf32>
        %select_n3A_665 = arith.select %and3A_663, %add3A_649, %select_n3A_559 : vector<16xi1>, vector<16xi32>
        %select_n3A_666 = arith.select %and3A_663, %get3A_647, %select_n3A_560 : vector<16xi1>, vector<16xf32>
        %or3A_667 = arith.ori %or3A_561, %eq3A_661 : vector<16xi1>
        %xor3A_668 = arith.xori %broadcast_in_dim3A_183, %get3A_590 : vector<16xi32>
        %and3A_669 = arith.andi %xor3A_668, %get3A_618 : vector<16xi32>
        %xor3A_670 = arith.xori %broadcast_in_dim3A_209, %get3A_597 : vector<16xi32>
        %and3A_671 = arith.andi %xor3A_670, %get3A_625 : vector<16xi32>
        %or3A_672 = arith.ori %and3A_669, %and3A_671 : vector<16xi32>
        %xor3A_673 = arith.xori %broadcast_in_dim3A_235, %get3A_604 : vector<16xi32>
        %and3A_674 = arith.andi %xor3A_673, %get3A_632 : vector<16xi32>
        %or3A_675 = arith.ori %or3A_672, %and3A_674 : vector<16xi32>
        %xor3A_676 = arith.xori %broadcast_in_dim3A_261, %get3A_611 : vector<16xi32>
        %and3A_677 = arith.andi %xor3A_676, %get3A_639 : vector<16xi32>
        %or3A_678 = arith.ori %or3A_675, %and3A_677 : vector<16xi32>
        %eq3A_679 = arith.cmpi eq, %or3A_678, %broadcast_in_dim3A_41 : vector<16xi32>
        %gt3A_680 = arith.cmpf ogt, %get3A_643, %select_n3A_576 : vector<16xf32>
        %and3A_681 = arith.andi %eq3A_679, %gt3A_680 : vector<16xi1>
        %select_n3A_682 = arith.select %and3A_681, %get3A_643, %select_n3A_576 : vector<16xi1>, vector<16xf32>
        %select_n3A_683 = arith.select %and3A_681, %add3A_649, %select_n3A_577 : vector<16xi1>, vector<16xi32>
        %select_n3A_684 = arith.select %and3A_681, %get3A_647, %select_n3A_578 : vector<16xi1>, vector<16xf32>
        %or3A_685 = arith.ori %or3A_579, %eq3A_679 : vector<16xi1>
        %mul3A_686 = arith.constant 64 : i32
        %mul3A_687 = arith.muli %scan3A_360, %mul3A_686 : i32
        %add3A_688 = arith.constant 48 : i32
        %add3A_689 = arith.addi %mul3A_687, %add3A_688 : i32
        %get3A_690 = arith.constant 0 : i32
        %get3A_691 = arith.constant 0 : i32
        %get3A_692 = arith.index_cast %scan3A_360 : i32 to index
        %get3A_693 = arith.index_cast %get3A_690 : i32 to index
        %get3A_694 = arith.index_cast %get3A_691 : i32 to index
        %get3A_695 = arith.constant 48 : index
        %get3A_696 = tpu.vector_load %arg10[%get3A_692, %get3A_693, %get3A_694, %get3A_695] {strides = array<i32>} : memref<16x2x4x64xi32, #tpu.memory_space<vmem>>, vector<16xi32>,
        %get3A_697 = arith.constant 0 : i32
        %get3A_698 = arith.constant 1 : i32
        %get3A_699 = arith.index_cast %scan3A_360 : i32 to index
        %get3A_700 = arith.index_cast %get3A_697 : i32 to index
        %get3A_701 = arith.index_cast %get3A_698 : i32 to index
        %get3A_702 = arith.constant 48 : index
        %get3A_703 = tpu.vector_load %arg10[%get3A_699, %get3A_700, %get3A_701, %get3A_702] {strides = array<i32>} : memref<16x2x4x64xi32, #tpu.memory_space<vmem>>, vector<16xi32>,
        %get3A_704 = arith.constant 0 : i32
        %get3A_705 = arith.constant 2 : i32
        %get3A_706 = arith.index_cast %scan3A_360 : i32 to index
        %get3A_707 = arith.index_cast %get3A_704 : i32 to index
        %get3A_708 = arith.index_cast %get3A_705 : i32 to index
        %get3A_709 = arith.constant 48 : index
        %get3A_710 = tpu.vector_load %arg10[%get3A_706, %get3A_707, %get3A_708, %get3A_709] {strides = array<i32>} : memref<16x2x4x64xi32, #tpu.memory_space<vmem>>, vector<16xi32>,
        %get3A_711 = arith.constant 0 : i32
        %get3A_712 = arith.constant 3 : i32
        %get3A_713 = arith.index_cast %scan3A_360 : i32 to index
        %get3A_714 = arith.index_cast %get3A_711 : i32 to index
        %get3A_715 = arith.index_cast %get3A_712 : i32 to index
        %get3A_716 = arith.constant 48 : index
        %get3A_717 = tpu.vector_load %arg10[%get3A_713, %get3A_714, %get3A_715, %get3A_716] {strides = array<i32>} : memref<16x2x4x64xi32, #tpu.memory_space<vmem>>, vector<16xi32>,
        %get3A_718 = arith.constant 1 : i32
        %get3A_719 = arith.constant 0 : i32
        %get3A_720 = arith.index_cast %scan3A_360 : i32 to index
        %get3A_721 = arith.index_cast %get3A_718 : i32 to index
        %get3A_722 = arith.index_cast %get3A_719 : i32 to index
        %get3A_723 = arith.constant 48 : index
        %get3A_724 = tpu.vector_load %arg10[%get3A_720, %get3A_721, %get3A_722, %get3A_723] {strides = array<i32>} : memref<16x2x4x64xi32, #tpu.memory_space<vmem>>, vector<16xi32>,
        %get3A_725 = arith.constant 1 : i32
        %get3A_726 = arith.constant 1 : i32
        %get3A_727 = arith.index_cast %scan3A_360 : i32 to index
        %get3A_728 = arith.index_cast %get3A_725 : i32 to index
        %get3A_729 = arith.index_cast %get3A_726 : i32 to index
        %get3A_730 = arith.constant 48 : index
        %get3A_731 = tpu.vector_load %arg10[%get3A_727, %get3A_728, %get3A_729, %get3A_730] {strides = array<i32>} : memref<16x2x4x64xi32, #tpu.memory_space<vmem>>, vector<16xi32>,
        %get3A_732 = arith.constant 1 : i32
        %get3A_733 = arith.constant 2 : i32
        %get3A_734 = arith.index_cast %scan3A_360 : i32 to index
        %get3A_735 = arith.index_cast %get3A_732 : i32 to index
        %get3A_736 = arith.index_cast %get3A_733 : i32 to index
        %get3A_737 = arith.constant 48 : index
        %get3A_738 = tpu.vector_load %arg10[%get3A_734, %get3A_735, %get3A_736, %get3A_737] {strides = array<i32>} : memref<16x2x4x64xi32, #tpu.memory_space<vmem>>, vector<16xi32>,
        %get3A_739 = arith.constant 1 : i32
        %get3A_740 = arith.constant 3 : i32
        %get3A_741 = arith.index_cast %scan3A_360 : i32 to index
        %get3A_742 = arith.index_cast %get3A_739 : i32 to index
        %get3A_743 = arith.index_cast %get3A_740 : i32 to index
        %get3A_744 = arith.constant 48 : index
        %get3A_745 = tpu.vector_load %arg10[%get3A_741, %get3A_742, %get3A_743, %get3A_744] {strides = array<i32>} : memref<16x2x4x64xi32, #tpu.memory_space<vmem>>, vector<16xi32>,
        %get3A_746 = arith.constant 0 : i32
        %get3A_747 = arith.index_cast %get3A_746 : i32 to index
        %get3A_748 = arith.index_cast %add3A_689 : i32 to index
        %get3A_749 = tpu.vector_load %arg11[%get3A_747, %get3A_748] {strides = array<i32>} : memref<2x1024xf32, #tpu.memory_space<vmem>>, vector<16xf32>,
        %get3A_750 = arith.constant 1 : i32
        %get3A_751 = arith.index_cast %get3A_750 : i32 to index
        %get3A_752 = arith.index_cast %add3A_689 : i32 to index
        %get3A_753 = tpu.vector_load %arg11[%get3A_751, %get3A_752] {strides = array<i32>} : memref<2x1024xf32, #tpu.memory_space<vmem>>, vector<16xf32>,
        %add3A_754 = vector.broadcast %add3A_689 : i32 to vector<16xi32>
        %add3A_755 = arith.addi %add3A_754, %iota3A : vector<16xi32>
        %xor3A_756 = arith.xori %broadcast_in_dim3A_79, %get3A_696 : vector<16xi32>
        %and3A_757 = arith.andi %xor3A_756, %get3A_724 : vector<16xi32>
        %xor3A_758 = arith.xori %broadcast_in_dim3A_105, %get3A_703 : vector<16xi32>
        %and3A_759 = arith.andi %xor3A_758, %get3A_731 : vector<16xi32>
        %or3A_760 = arith.ori %and3A_757, %and3A_759 : vector<16xi32>
        %xor3A_761 = arith.xori %broadcast_in_dim3A_131, %get3A_710 : vector<16xi32>
        %and3A_762 = arith.andi %xor3A_761, %get3A_738 : vector<16xi32>
        %or3A_763 = arith.ori %or3A_760, %and3A_762 : vector<16xi32>
        %xor3A_764 = arith.xori %broadcast_in_dim3A_157, %get3A_717 : vector<16xi32>
        %and3A_765 = arith.andi %xor3A_764, %get3A_745 : vector<16xi32>
        %or3A_766 = arith.ori %or3A_763, %and3A_765 : vector<16xi32>
        %eq3A_767 = arith.cmpi eq, %or3A_766, %broadcast_in_dim3A_41 : vector<16xi32>
        %gt3A_768 = arith.cmpf ogt, %get3A_749, %select_n3A_664 : vector<16xf32>
        %and3A_769 = arith.andi %eq3A_767, %gt3A_768 : vector<16xi1>
        %select_n3A_770 = arith.select %and3A_769, %get3A_749, %select_n3A_664 : vector<16xi1>, vector<16xf32>
        %select_n3A_771 = arith.select %and3A_769, %add3A_755, %select_n3A_665 : vector<16xi1>, vector<16xi32>
        %select_n3A_772 = arith.select %and3A_769, %get3A_753, %select_n3A_666 : vector<16xi1>, vector<16xf32>
        %or3A_773 = arith.ori %or3A_667, %eq3A_767 : vector<16xi1>
        %xor3A_774 = arith.xori %broadcast_in_dim3A_183, %get3A_696 : vector<16xi32>
        %and3A_775 = arith.andi %xor3A_774, %get3A_724 : vector<16xi32>
        %xor3A_776 = arith.xori %broadcast_in_dim3A_209, %get3A_703 : vector<16xi32>
        %and3A_777 = arith.andi %xor3A_776, %get3A_731 : vector<16xi32>
        %or3A_778 = arith.ori %and3A_775, %and3A_777 : vector<16xi32>
        %xor3A_779 = arith.xori %broadcast_in_dim3A_235, %get3A_710 : vector<16xi32>
        %and3A_780 = arith.andi %xor3A_779, %get3A_738 : vector<16xi32>
        %or3A_781 = arith.ori %or3A_778, %and3A_780 : vector<16xi32>
        %xor3A_782 = arith.xori %broadcast_in_dim3A_261, %get3A_717 : vector<16xi32>
        %and3A_783 = arith.andi %xor3A_782, %get3A_745 : vector<16xi32>
        %or3A_784 = arith.ori %or3A_781, %and3A_783 : vector<16xi32>
        %eq3A_785 = arith.cmpi eq, %or3A_784, %broadcast_in_dim3A_41 : vector<16xi32>
        %gt3A_786 = arith.cmpf ogt, %get3A_749, %select_n3A_682 : vector<16xf32>
        %and3A_787 = arith.andi %eq3A_785, %gt3A_786 : vector<16xi1>
        %select_n3A_788 = arith.select %and3A_787, %get3A_749, %select_n3A_682 : vector<16xi1>, vector<16xf32>
        %select_n3A_789 = arith.select %and3A_787, %add3A_755, %select_n3A_683 : vector<16xi1>, vector<16xi32>
        %select_n3A_790 = arith.select %and3A_787, %get3A_753, %select_n3A_684 : vector<16xi1>, vector<16xf32>
        %or3A_791 = arith.ori %or3A_685, %eq3A_785 : vector<16xi1>
        scf.yield %select_n3A_770, %select_n3A_771, %select_n3A_772, %or3A_773, %select_n3A_788, %select_n3A_789, %select_n3A_790, %or3A_791 : vector<16xf32>, vector<16xi32>, vector<16xf32>, vector<16xi1>, vector<16xf32>, vector<16xi32>, vector<16xf32>, vector<16xi1>
      }
      %scan3A_267 = arith.constant 16 : i32
      %reduce_max3A_268 = arith.constant true
      %reduce_max3A_269 = vector.broadcast %reduce_max3A_268 : i1 to vector<16xi1>
      %reduce_max3A_270 = tpu.scan <max>, %scan3A_266#0 masked %reduce_max3A_269 : vector<16xf32>, vector<16xi1> -> vector<16xf32>
      %reduce_max3A_271 = vector.extract %reduce_max3A_270[15] : f32 from vector<16xf32>
      %eq3A = vector.broadcast %reduce_max3A_271 : f32 to vector<16xf32>
      %eq3A_272 = arith.cmpf oeq, %scan3A_266#0, %eq3A : vector<16xf32>
      %select_n3A = arith.select %eq3A_272, %scan3A_266#1, %broadcast_in_dim3A_43 : vector<16xi1>, vector<16xi32>
      %reduce_min3A = arith.constant true
      %reduce_min3A_273 = vector.broadcast %reduce_min3A : i1 to vector<16xi1>
      %reduce_min3A_274 = arith.constant -2147483648 : i32
      %reduce_min3A_275 = vector.broadcast %reduce_min3A_274 : i32 to vector<16xi32>
      %reduce_min3A_276 = arith.xori %select_n3A, %reduce_min3A_275 : vector<16xi32>
      %reduce_min3A_277 = tpu.scan <min>, %reduce_min3A_276 masked %reduce_min3A_273 : vector<16xi32>, vector<16xi1> -> vector<16xi32>
      %reduce_min3A_278 = arith.xori %reduce_min3A_277, %reduce_min3A_275 : vector<16xi32>
      %reduce_min3A_279 = vector.extract %reduce_min3A_278[15] : i32 from vector<16xi32>
      %eq3A_280 = vector.broadcast %reduce_min3A_279 : i32 to vector<16xi32>
      %eq3A_281 = arith.cmpi eq, %scan3A_266#1, %eq3A_280 : vector<16xi32>
      %and3A = arith.andi %eq3A_272, %eq3A_281 : vector<16xi1>
      %select_n3A_282 = arith.select %and3A, %scan3A_266#2, %broadcast_in_dim3A_39 : vector<16xi1>, vector<16xf32>
      %reduce_sum3A_283 = arith.constant true
      %reduce_sum3A_284 = vector.broadcast %reduce_sum3A_283 : i1 to vector<16xi1>
      %reduce_sum3A_285 = tpu.scan <sum>, %select_n3A_282 masked %reduce_sum3A_284 : vector<16xf32>, vector<16xi1> -> vector<16xf32>
      %reduce_sum3A_286 = vector.extract %reduce_sum3A_285[15] : f32 from vector<16xf32>
      %jit3A = arith.constant 1 : i32
      %jit3A_287 = arith.constant 0 : i32
      %broadcast_in_dim3A_288 = vector.broadcast %jit3A : i32 to vector<16xi32>
      %broadcast_in_dim3A_289 = vector.broadcast %jit3A_287 : i32 to vector<16xi32>
      %select_n3A_290 = arith.select %scan3A_266#3, %broadcast_in_dim3A_288, %broadcast_in_dim3A_289 : vector<16xi1>, vector<16xi32>
      %reduce_max3A_291 = arith.constant true
      %reduce_max3A_292 = vector.broadcast %reduce_max3A_291 : i1 to vector<16xi1>
      %reduce_max3A_293 = arith.constant -2147483648 : i32
      %reduce_max3A_294 = vector.broadcast %reduce_max3A_293 : i32 to vector<16xi32>
      %reduce_max3A_295 = arith.xori %select_n3A_290, %reduce_max3A_294 : vector<16xi32>
      %reduce_max3A_296 = tpu.scan <max>, %reduce_max3A_295 masked %reduce_max3A_292 : vector<16xi32>, vector<16xi1> -> vector<16xi32>
      %reduce_max3A_297 = arith.xori %reduce_max3A_296, %reduce_max3A_294 : vector<16xi32>
      %reduce_max3A_298 = vector.extract %reduce_max3A_297[15] : i32 from vector<16xi32>
      %gt3A = arith.constant 0.000000e+00 : f32
      %gt3A_299 = arith.cmpf ogt, %reduce_max3A_271, %gt3A : f32
      %gt3A_300 = arith.constant 0 : i32
      %gt3A_301 = arith.cmpi sgt, %reduce_max3A_298, %gt3A_300 : i32
      %jit3A_302 = arith.constant 0.000000e+00 : f32
      %select_n3A_303 = arith.select %gt3A_301, %reduce_max3A_37, %jit3A_302 : f32
      %select_n3A_304 = arith.select %gt3A_299, %reduce_sum3A_286, %select_n3A_303 : f32
      %add3A_305 = arith.constant 0 : i32
      %add3A_306 = arith.addi %mul3A_56, %add3A_305 : i32
      %eq3A_307 = vector.broadcast %add3A_306 : i32 to vector<16xi32>
      %eq3A_308 = arith.cmpi eq, %iota3A, %eq3A_307 : vector<16xi32>
      %broadcast_in_dim3A_309 = vector.broadcast %select_n3A_304 : f32 to vector<16xf32>
      %select_n3A_310 = arith.select %eq3A_308, %broadcast_in_dim3A_309, %scan3A_54 : vector<16xi1>, vector<16xf32>
      %reduce_max3A_311 = arith.constant true
      %reduce_max3A_312 = vector.broadcast %reduce_max3A_311 : i1 to vector<16xi1>
      %reduce_max3A_313 = tpu.scan <max>, %scan3A_266#4 masked %reduce_max3A_312 : vector<16xf32>, vector<16xi1> -> vector<16xf32>
      %reduce_max3A_314 = vector.extract %reduce_max3A_313[15] : f32 from vector<16xf32>
      %eq3A_315 = vector.broadcast %reduce_max3A_314 : f32 to vector<16xf32>
      %eq3A_316 = arith.cmpf oeq, %scan3A_266#4, %eq3A_315 : vector<16xf32>
      %select_n3A_317 = arith.select %eq3A_316, %scan3A_266#5, %broadcast_in_dim3A_43 : vector<16xi1>, vector<16xi32>
      %reduce_min3A_318 = arith.constant true
      %reduce_min3A_319 = vector.broadcast %reduce_min3A_318 : i1 to vector<16xi1>
      %reduce_min3A_320 = arith.constant -2147483648 : i32
      %reduce_min3A_321 = vector.broadcast %reduce_min3A_320 : i32 to vector<16xi32>
      %reduce_min3A_322 = arith.xori %select_n3A_317, %reduce_min3A_321 : vector<16xi32>
      %reduce_min3A_323 = tpu.scan <min>, %reduce_min3A_322 masked %reduce_min3A_319 : vector<16xi32>, vector<16xi1> -> vector<16xi32>
      %reduce_min3A_324 = arith.xori %reduce_min3A_323, %reduce_min3A_321 : vector<16xi32>
      %reduce_min3A_325 = vector.extract %reduce_min3A_324[15] : i32 from vector<16xi32>
      %eq3A_326 = vector.broadcast %reduce_min3A_325 : i32 to vector<16xi32>
      %eq3A_327 = arith.cmpi eq, %scan3A_266#5, %eq3A_326 : vector<16xi32>
      %and3A_328 = arith.andi %eq3A_316, %eq3A_327 : vector<16xi1>
      %select_n3A_329 = arith.select %and3A_328, %scan3A_266#6, %broadcast_in_dim3A_39 : vector<16xi1>, vector<16xf32>
      %reduce_sum3A_330 = arith.constant true
      %reduce_sum3A_331 = vector.broadcast %reduce_sum3A_330 : i1 to vector<16xi1>
      %reduce_sum3A_332 = tpu.scan <sum>, %select_n3A_329 masked %reduce_sum3A_331 : vector<16xf32>, vector<16xi1> -> vector<16xf32>
      %reduce_sum3A_333 = vector.extract %reduce_sum3A_332[15] : f32 from vector<16xf32>
      %jit3A_334 = arith.constant 1 : i32
      %jit3A_335 = arith.constant 0 : i32
      %broadcast_in_dim3A_336 = vector.broadcast %jit3A_334 : i32 to vector<16xi32>
      %broadcast_in_dim3A_337 = vector.broadcast %jit3A_335 : i32 to vector<16xi32>
      %select_n3A_338 = arith.select %scan3A_266#7, %broadcast_in_dim3A_336, %broadcast_in_dim3A_337 : vector<16xi1>, vector<16xi32>
      %reduce_max3A_339 = arith.constant true
      %reduce_max3A_340 = vector.broadcast %reduce_max3A_339 : i1 to vector<16xi1>
      %reduce_max3A_341 = arith.constant -2147483648 : i32
      %reduce_max3A_342 = vector.broadcast %reduce_max3A_341 : i32 to vector<16xi32>
      %reduce_max3A_343 = arith.xori %select_n3A_338, %reduce_max3A_342 : vector<16xi32>
      %reduce_max3A_344 = tpu.scan <max>, %reduce_max3A_343 masked %reduce_max3A_340 : vector<16xi32>, vector<16xi1> -> vector<16xi32>
      %reduce_max3A_345 = arith.xori %reduce_max3A_344, %reduce_max3A_342 : vector<16xi32>
      %reduce_max3A_346 = vector.extract %reduce_max3A_345[15] : i32 from vector<16xi32>
      %gt3A_347 = arith.constant 0.000000e+00 : f32
      %gt3A_348 = arith.cmpf ogt, %reduce_max3A_314, %gt3A_347 : f32
      %gt3A_349 = arith.constant 0 : i32
      %gt3A_350 = arith.cmpi sgt, %reduce_max3A_346, %gt3A_349 : i32
      %jit3A_351 = arith.constant 0.000000e+00 : f32
      %select_n3A_352 = arith.select %gt3A_350, %reduce_max3A_37, %jit3A_351 : f32
      %select_n3A_353 = arith.select %gt3A_348, %reduce_sum3A_333, %select_n3A_352 : f32
      %add3A_354 = arith.constant 1 : i32
      %add3A_355 = arith.addi %mul3A_56, %add3A_354 : i32
      %eq3A_356 = vector.broadcast %add3A_355 : i32 to vector<16xi32>
      %eq3A_357 = arith.cmpi eq, %iota3A, %eq3A_356 : vector<16xi32>
      %broadcast_in_dim3A_358 = vector.broadcast %select_n3A_353 : f32 to vector<16xf32>
      %select_n3A_359 = arith.select %eq3A_357, %broadcast_in_dim3A_358, %select_n3A_310 : vector<16xi1>, vector<16xf32>
      scf.yield %select_n3A_359 : vector<16xf32>
    }
    %scan3A_51 = arith.constant 4 : i32
    %swap3A = arith.constant 0 : index
    %swap3A_52 = tpu.vector_load %arg12[%swap3A] {strides = array<i32>} : memref<16xf32, #tpu.memory_space<vmem>>, vector<16xf32>,
    tpu.vector_store %arg12[%swap3A], %scan3A_50 {strides = array<i32>} : memref<16xf32, #tpu.memory_space<vmem>>, vector<16xf32>,
    "tpu.region"() ({
      %run_scoped3A = tpu.sem_alloc : memref<!tpu.dma_semaphore, #tpu.memory_space<semaphore_mem>>
      %dma_start3A_53 = arith.constant 0 : i32
      %dma_start3A_54 = tpu.memref_slice %arg12[%dma_start3A_53] : memref<16xf32, #tpu.memory_space<vmem>> -> memref<8xf32, #tpu.memory_space<vmem>>
      %dma_start3A_55 = arith.constant 0 : i32
      %dma_start3A_56 = tpu.memref_slice %arg5[%add3A, %dma_start3A_55] : memref<32x8xf32, #tpu.memory_space<hbm>> -> memref<1x8xf32, #tpu.memory_space<hbm>>
      %dma_start3A_57 = tpu.memref_squeeze %dma_start3A_56 : memref<1x8xf32, #tpu.memory_space<hbm>> -> memref<8xf32, #tpu.memory_space<hbm>>
      %dma_start3A_58 = arith.constant 0 : i32
      %dma_start3A_59 = tpu.memref_slice %arg5[%add3A, %dma_start3A_58] : memref<32x8xf32, #tpu.memory_space<hbm>> -> memref<1x8xf32, #tpu.memory_space<hbm>>
      %dma_start3A_60 = tpu.memref_squeeze %dma_start3A_59 : memref<1x8xf32, #tpu.memory_space<hbm>> -> memref<8xf32, #tpu.memory_space<hbm>>
      %dma_start3A_61 = arith.constant 0 : i32
      %dma_start3A_62 = tpu.memref_slice %arg12[%dma_start3A_61] : memref<16xf32, #tpu.memory_space<vmem>> -> memref<8xf32, #tpu.memory_space<vmem>>
      tpu.enqueue_dma source(%dma_start3A_62 : memref<8xf32, #tpu.memory_space<vmem>>) target(%dma_start3A_60 : memref<8xf32, #tpu.memory_space<hbm>>) target_semaphore(%run_scoped3A : memref<!tpu.dma_semaphore, #tpu.memory_space<semaphore_mem>>)
      %dma_wait3A_63 = arith.constant 0 : i32
      %dma_wait3A_64 = tpu.memref_slice %arg12[%dma_wait3A_63] : memref<16xf32, #tpu.memory_space<vmem>> -> memref<8xf32, #tpu.memory_space<vmem>>
      %dma_wait3A_65 = arith.constant 0 : i32
      %dma_wait3A_66 = tpu.memref_slice %arg5[%add3A, %dma_wait3A_65] : memref<32x8xf32, #tpu.memory_space<hbm>> -> memref<1x8xf32, #tpu.memory_space<hbm>>
      %dma_wait3A_67 = tpu.memref_squeeze %dma_wait3A_66 : memref<1x8xf32, #tpu.memory_space<hbm>> -> memref<8xf32, #tpu.memory_space<hbm>>
      %dma_wait3A_68 = arith.constant 0 : i32
      %dma_wait3A_69 = tpu.memref_slice %arg5[%add3A, %dma_wait3A_68] : memref<32x8xf32, #tpu.memory_space<hbm>> -> memref<1x8xf32, #tpu.memory_space<hbm>>
      %dma_wait3A_70 = tpu.memref_squeeze %dma_wait3A_69 : memref<1x8xf32, #tpu.memory_space<hbm>> -> memref<8xf32, #tpu.memory_space<hbm>>
      %dma_wait3A_71 = arith.constant 0 : i32
      %dma_wait3A_72 = tpu.memref_slice %arg12[%dma_wait3A_71] : memref<16xf32, #tpu.memory_space<vmem>> -> memref<8xf32, #tpu.memory_space<vmem>>
      tpu.wait_dma2 semaphore(%run_scoped3A : memref<!tpu.dma_semaphore, #tpu.memory_space<semaphore_mem>>) src(%dma_wait3A_72 : memref<8xf32, #tpu.memory_space<vmem>>) dst(%dma_wait3A_70 : memref<8xf32, #tpu.memory_space<hbm>>)
      tpu.yield
    }) : () -> ()
    return
  }
}

</mosaic_0001>

<sc_bundles>
// kernel: _sc_switch.3.cloned.1.call-start
scs
__scs_entry_jumppad:
0x0: {  	(pc) =	sbr.rel $0x88, $3  }
0x1: {  	(tag) =	ssettag $0x0;
	lr =	simm.s32 $0x1  }
0x2: {  	[smem:$0x3F9E] =	sst lr;
	_ =	strace $0xD0000000  }
0x3: {  	_ = 	snop  }
0x4: {  	_ = 	snop  }
0x5: {  	_ = 	snop  }
0x6: {  	_ = 	snop  }
0x7: {  	_ = 	snop  }
__scs_overlays_trampoline_lowered:
0x8: {  	[smem:$0x3FAD] =	sst s0  }
0x9: {  	[smem:$0x3FAE] =	sst s1  }
0xa: {  	[smem:$0x3FAF] =	sst s2  }
0xb: {  	[smem:$0x3FB0] =	sst s3  }
0xc: {  	[smem:$0x3FB1] =	sst s4  }
0xd: {  	[smem:$0x3FB2] =	sst s5  }
0xe: {  	[smem:$0x3FB3] =	sst s6  }
0xf: {  	[smem:$0x3FB4] =	sst s7  }
0x10: {  	[smem:$0x3FB5] =	sst s8  }
0x11: {  	[smem:$0x3FB6] =	sst s9;
	s0 =	simm.s32 @!p0 $0x0  }
0x12: {  	s1 =	sld [smem:$0x3F9C];
	s0 =	simm.s32 @p0 $0x1  }
0x13: {  	[smem:$0x3FB7] =	sst s0;
	s0 =	simm.s32 @!p1 $0x0  }
0x14: {  	s2 =	sld [smem:$0x3F9B];
	s0 =	simm.s32 @p1 $0x1  }
0x15: {  	[smem:$0x3FB8] =	sst s0;
	s0 =	simm.s32 @!p2 $0x0  }
0x16: {  	s3 =	sld [smem:$0x3FDB];
	s0 =	simm.s32 @p2 $0x1  }
0x17: {  	s4 =	simm.s32 $0x1BF5;
	[smem:$0x3FBA] =	sst s0  }
0x18: {  	s0 =	sld [smem:$0x3F9D];
	_ =	swait.ge [sflag:s4], $0x0  }
0x19: {  	s7 =	sld [smem:$0x3F9E]  }
0x1a: {  	s8 =	sadd.s32 $0xFFFFE003, lr  }
0x1b: {  	s9 =	sadd.s32 $0xFFFFFEF7, lr;
	s5 =	simm.s32 $0xFFFFFFFF;
	p2 =	slt.u32 s8, $0xFFFFF086  }
0x1c: {  	p1 =	slt.u32 s9, $0xF7A;
	s5 =	simm.s32 @!p2 $0x0  }
0x1d: {  	s5 =	simm.s32 @p1 $0x1;
	p0 =	seq.s32 s7, s2  }
0x1e: {  	s7 =	smul.u32 @!p0 $0xF7A, s2;
	p2 =	seq.s32 @!p0 s5, $0x0  }
0x1f: {  	s9 =	smul.u32 $0xF7A, s1;
	s8 =	simm.s32 @!p0 $0x1BF5;
	p2 =	por !p2, p0  }
0x20: {  	[sflag:s8] =	ssyncset.s32 @!p0 $0xFFFFF086;
	s6 =	sadd.s32 @!p0 s3, s7;
	s7 =	simm.s32 @!p0 $0x108  }
0x21: {  	s3 =	sadd.s32 s3, s9;
	s6 =	sadd.s32 @!p0 $0x88, s6;
	s7 =	simm.s32 @p2 $0x1082  }
0x22: {  	[simem:s7], [sflag:s8] =	dma.local @!p0 [hbm:s6], $0xF7A  }
0x23: {  	s9 =	sor.u32 $0xD0000000, s2;
	s6 =	simm.s32 $0x108;
	_ =	swait.ge @!p0 [sflag:s8], $0x0  }
0x24: {  	s3 =	sadd.s32 $0x88, s3;
	s6 =	simm.s32 @!p1 $0x1082;
	[sflag:s4] =	ssyncset.s32 $0xFFFFF086  }
0x25: {  	[simem:s6], [sflag:s4] =	dma.local [hbm:s3], $0xF7A  }
0x26: {  	[smem:$0x3F9E] =	sst s1;
	(tag) =	ssettag s2;
	_ =	strace s9  }
0x27: {  	s1 =	sld [smem:$0x3FAE]  }
0x28: {  	s2 =	sld [smem:$0x3FAF]  }
0x29: {  	s4 =	sld [smem:$0x3FB1]  }
0x2a: {  	p0 =	seq.s32 s5, $0x0;
	s5 =	sld [smem:$0x3FB2]  }
0x2b: {  	s6 =	sld [smem:$0x3FB3]  }
0x2c: {  	s7 =	sld [smem:$0x3FB4]  }
0x2d: {  	s3 =	simm.s32 $0x108;
	s8 =	sld [smem:$0x3FB5]  }
0x2e: {  	s3 =	simm.s32 @!p0 $0x1082;
	s9 =	sld [smem:$0x3FB6]  }
0x2f: {  	lr =	sadd.s32 s0, s3;
	s0 =	sld [smem:$0x3FAD]  }
0x30: {  	s3 =	sld [smem:$0x3FB0]  }
0x31: {  	[smem:$0x3FB9] =	sst s10  }
0x32: {  	s10 =	sld [smem:$0x3FB7];
	_ =	sdelay $0x3  }
0x33: {  	p0 =	seq.s32 s10, $0x1;
	s10 =	sld [smem:$0x3FB9];
	_ =	sdelay $0x3  }
0x34: {  	[smem:$0x3FB9] =	sst s10  }
0x35: {  	s10 =	sld [smem:$0x3FB8];
	_ =	sdelay $0x3  }
0x36: {  	p1 =	seq.s32 s10, $0x1;
	s10 =	sld [smem:$0x3FB9];
	_ =	sdelay $0x3  }
0x37: {  	[smem:$0x3FB9] =	sst s10  }
0x38: {  	s10 =	sld [smem:$0x3FBA]  }
0x39: {  	_ = 	snop;
	(pc) =	sbr.ind lr, $3  }
0x3a: {  	_ = 	snop  }
0x3b: {  	_ = 	snop  }
0x3c: {  	p2 =	seq.s32 s10, $0x1;
	s10 =	sld [smem:$0x3FB9]  }
0x3d: {  	_ =	shalt  }
0x3e: {  	_ =	shalt  }
0x3f: {  	_ =	shalt  }
0x40: {  	_ =	shalt  }
0x41: {  	_ =	shalt  }
0x42: {  	_ =	shalt  }
0x43: {  	_ =	shalt  }
0x44: {  	_ =	shalt  }
0x45: {  	_ =	shalt  }
0x46: {  	_ =	shalt  }
0x47: {  	_ =	shalt  }
0x48: {  	_ =	shalt  }
0x49: {  	_ =	shalt  }
0x4a: {  	_ =	shalt  }
0x4b: {  	_ =	shalt  }
0x4c: {  	_ =	shalt  }
0x4d: {  	_ =	shalt  }
0x4e: {  	_ =	shalt  }
0x4f: {  	_ =	shalt  }
0x50: {  	_ =	shalt  }
0x51: {  	_ =	shalt  }
0x52: {  	_ =	shalt  }
0x53: {  	_ =	shalt  }
0x54: {  	_ =	shalt  }
0x55: {  	_ =	shalt  }
0x56: {  	_ =	shalt  }
0x57: {  	_ =	shalt  }
0x58: {  	_ =	shalt  }
0x59: {  	_ =	shalt  }
0x5a: {  	_ =	shalt  }
0x5b: {  	_ =	shalt  }
0x5c: {  	_ =	shalt  }
0x5d: {  	_ =	shalt  }
0x5e: {  	_ =	shalt  }
0x5f: {  	_ =	shalt  }
0x60: {  	_ =	shalt  }
0x61: {  	_ =	shalt  }
0x62: {  	_ =	shalt  }
0x63: {  	_ =	shalt  }
0x64: {  	_ =	shalt  }
0x65: {  	_ =	shalt  }
0x66: {  	_ =	shalt  }
0x67: {  	_ =	shalt  }
0x68: {  	_ =	shalt  }
0x69: {  	_ =	shalt  }
0x6a: {  	_ =	shalt  }
0x6b: {  	_ =	shalt  }
0x6c: {  	_ =	shalt  }
0x6d: {  	_ =	shalt  }
0x6e: {  	_ =	shalt  }
0x6f: {  	_ =	shalt  }
0x70: {  	_ =	shalt  }
0x71: {  	_ =	shalt  }
0x72: {  	_ =	shalt  }
0x73: {  	_ =	shalt  }
0x74: {  	_ =	shalt  }
0x75: {  	_ =	shalt  }
0x76: {  	_ =	shalt  }
0x77: {  	_ =	shalt  }
0x78: {  	_ =	shalt  }
0x79: {  	_ =	shalt  }
0x7a: {  	_ =	shalt  }
0x7b: {  	_ =	shalt  }
0x7c: {  	_ =	shalt  }
0x7d: {  	_ =	shalt  }
0x7e: {  	_ =	shalt  }
0x7f: {  	_ =	shalt  }
0x80: {  	_ =	shalt  }
0x81: {  	_ =	shalt  }
0x82: {  	_ =	shalt  }
0x83: {  	_ =	shalt  }
0x84: {  	_ =	shalt  }
0x85: {  	_ =	shalt  }
0x86: {  	_ =	shalt  }
0x87: {  	_ =	shalt  }
.Lfunc_end0:
.L_simem_size_0:
called_computation_lowered:
.L_overlay_start_0:
0x88: {  	s2 =	sld [smem:$0x3FD9]  }
0x89: {  	s3 =	sld [smem:$0x3FFE];
	_ =	sdelay $0x1  }
0x8a: {  	s1 =	srdreg.scid  }
0x8b: {  	s0 =	sand.u32 $0x1, s1  }
0x8c: {  	s17 =	sshll.u32 s0, $0xA;
	s2 =	sadd.s32 s3, s2  }
0x8d: {  	s2 =	sadd.s32 s2, s17  }
0x8e: {  	[smem:$0x3FC5] =	sst s2  }
0x8f: {  	_ = 	snop  }
0x90: {  	s2 =	sld [smem:$0x3FC9]  }
0x91: {  	s18 =	sld [smem:$0x3FD0];
	(tm) =	ssettm $0x1  }
0x92: {  	s4 =	sld [smem:$0x3FFB];
	_ =	sdelay $0x3  }
0x93: {  	_ =	strace s4  }
0x94: {  	s4 =	sld [smem:$0x3FFC];
	_ =	sdelay $0x3  }
0x95: {  	_ =	strace s4  }
0x96: {  	s4 =	sld [smem:$0x3FFD];
	_ =	sdelay $0x3  }
0x97: {  	_ =	strace s4  }
0x98: {  	_ =	strace $0x8FFFFFFF  }
0x99: {  	s19 =	sld [smem:$0x3FDB];
	_ =	sdelay $0x1  }
0x9a: {  	s5 =	simm.s32 $_scs_section_size  }
0x9b: {  	s6 =	simm.s32 $_size__tile_overlayer_lowered;
	s7 =	simm.s32 $_tile_overlayer_lowered  }
0x9c: {  	s22 =	simm.s32 $0x1BFF;
	s21 =	sshll.u32 s7, $0x1;
	s4 =	sadd.s32 s5, s19  }
0x9d: {  	s8 =	simm.s32 $0x0;
	s20 =	sshll.u32 s6, $0x1;
	s6 =	sadd.s32 s21, s4  }
0x9e: {  	[timem:s8], [sflag:s22] =	dma.local [hbm:s6], s20  }
0x9f: {  	_ =	swait.ge [sflag:s22], s20  }
0xa0: {  	s5 =	ssub.s32 $0x0, s20;
	[sflag:s22] =	ssyncset.done $0x0  }
0xa1: {  	[sflag:s22] =	ssyncadd.s32 s5;
	_ =	sdelay $0x1  }
0xa2: {  	s23 =	simm.s32 $0x1B8B  }
0xa3: {  	_ =	swait.ge [sflag:s23], $0x1  }
0xa4: {  	[sflag:s23] =	ssyncset.done $0x0  }
0xa5: {  	s25 =	simm.s32 $0x1B8E;
	s24 =	sld [smem:$0x3FFE];
	[sflag:s23] =	ssyncadd.s32 $0xFFFFFFFF  }
0xa6: {  	s26 =	simm.s32 $execute0_lowered;
	[smem:$0x3FD2] =	sst s25  }
0xa7: {  	s6 =	sshll.u32 s26, $0x1;
	_ =	strace $0x80000046;
	[dreg:$0x1] =	wrdreg $0xFFFFFFFF  }
0xa8: {  	s28 =	simm.s32 $_size_execute0_lowered;
	s4 =	sadd.s32 s4, s6;
	[dreg:$0x0] =	wrdreg $0x0  }
0xa9: {  	s6 =	sshll.u32 s28, $0x1;
	[dreg:$0x2] =	wrdreg s4  }
0xaa: {  	[dreg:$0x3] =	wrdreg s6  }
0xab: {  	[dreg:$0x4] =	wrdreg $0xC0  }
0xac: {  	_ =	task [dreg:s8], $0x5FFFF  }
0xad: {  	[dreg:$0x1] =	wrdreg $0xFFFFFFFF  }
0xae: {  	[dreg:$0x0] =	wrdreg $0x60  }
0xaf: {  	[dreg:$0x2] =	wrdreg s2  }
0xb0: {  	[dreg:$0x3] =	wrdreg s24  }
0xb1: {  	[dreg:$0x4] =	wrdreg s18  }
0xb2: {  	[dreg:$0x5] =	wrdreg $0x26000  }
0xb3: {  	[dreg:$0x6] =	wrdreg $0x9  }
0xb4: {  	_ =	task.clear_ibuf [dreg:s8], $0x7FFFF;
	_ =	strace $0x90000046  }
0xb5: {  	s29 =	simm.s32 $0x9;
	_ =	strace $0x80000048  }
0xb6: {  	_ =	swait.ge [sflag:s29], $0x1  }
0xb7: {  	[sflag:s29] =	ssyncadd.s32 $0xFFFFFFFF  }
0xb8: {  	_ =	strace $0x90000048  }
0xb9: {  	_ =	sfence  }
0xba: {  	s30 =	sld [smem:$0x0];
	_ =	sdelay $0x2  }
0xbb: {  	s31 =	sshll.u32 s1, $0xD;
	s1 =	sshrl.u32 s1, $0x2  }
0xbc: {  	s3 =	sand.u32 $0x4000, s31;
	s1 =	sadd.s32 s1, s30  }
0xbd: {  	s0 =	sor.u32 s3, s0;
	s1 =	sshll.u32 s1, $0x11  }
0xbe: {  	s0 =	sor.u32 s1, s0  }
0xbf: {  	s0 =	sadd.s32 $0x8F2B, s0  }
0xc0: {  	[sflag:s0] =	ssyncadd.remote.s32 $0x1  }
0xc1: {  	_ =	sfence.sel $0xFFFF  }
0xc2: {  	[dreg:$0x0] =	wrdreg $0xFFFFFFFF;
	(pc) =	sbr.abs _section_cstart, $3  }
0xc3: {  	[dreg:$0x1] =	wrdreg $0xFFFFFFFF  }
0xc4: {  	_ =	task.clear_ibuf [dreg:s8], $0x2FFFF;
	_ =	strace $0x9FFFFFFF  }
0xc5: {  	(tm) =	ssettm $0x7FFFFFFF  }
tec
execute0_lowered:
.L_overlay_start_1:
0x0: {  	(tag) =	ssettag $0x1  }
0x1: {  	s5 =	rddreg [dreg:$0x0]  }
0x2: {  	s4 =	rddreg [dreg:$0x1]  }
0x3: {  	s8 =	rddreg [dreg:$0x2]  }
0x4: {  	s1 =	rddreg [dreg:$0x3];
	s3 =	simm.s32 $0x0;
	s6 =	srdreg.scid  }
0x5: {  	s0 =	stileid.u32;
	s13 =	simm.s32 $0x2;
	s15 =	simm.s32 $0x4  }
0x6: {  	s16 =	simm.s32 $0x2800;
	s17 =	simm.s32 $0x1;
	s18 =	simm.s32 $0x3  }
0x7: {  	s19 =	simm.s32 $0x5000;
	s20 =	simm.s32 $0x0;
	[smem:$0x7FF] =	sst s3  }
0x8: {  	s6 =	sand.u32 $0x1, s6;
	s7 =	sshll.u32 s0, $0x3;
	s30 =	sshll.u32 s0, $0x9  }
0x9: {  	_ =	strace $0x80000047;
	s9 =	ssub.s32 $0x2, s6;
	s6 =	sshll.u32 s6, $0x7  }
0xa: {  	s10 =	sadd.s32 s7, s4;
	s11 =	sshrl.u32 s9, $0x1;
	s6 =	sor.u32 s7, s6  }
0xb: {  	s4 =	sadd.s32 $0x600, s4;
	s9 =	ssub.s32 s9, s11;
	s7 =	sshll.u32 s6, $0x4  }
0xc: {  	s31 =	sshrl.u32 s6, $0x3;
	s6 =	sadd.s32 $0x800, s10;
	s5 =	sadd.s32 s5, s7  }
0xd: {  	v27 =	vimm.s32 $0x0;
	v0 =	vlaneseq.u32;
	vm0 =	vmxor vm0, vm0;
	s7 =	sadd.s32 s30, s1;
	s8 =	sadd.s32 s8, s31;
	s9 =	smax.u32 s9, $0x1  }
.LBB2_1:
0xe: {  	[tilespmem:s3], [sflag:$0x1] =	stream.linear.gather [hbm4b:s5+s3], $0x400, $0x38;
	[tilespmem:$0x5010] =	vst v63  }
0xf: {  	s0 =	simm.s32 $0x40;
	s2 =	simm.s32 $0x400  }
0x10: {  	[tilespmem:s2], [sflag:$0x2] =	stream.strided.gather [hbm4b:s6+s0], $0x2000, s2, s0, $0x38;
	[tilespmem:$0x5010] =	vst v63  }
0x11: {  	s31 =	simm.s32 $0x4800  }
0x12: {  	[tilespmem:s31], [sflag:$0x3] =	stream.linear.gather [hbm4b:s4+s3], $0x800, $0x38;
	[tilespmem:$0x5010] =	vst v63  }
0x13: {  	_ =	swait.ge [sflag:s13], $0x2000  }
0x14: {  	[sflag:s13] =	ssyncset.done $0x0  }
0x15: {  	s21 =	simm.s32 $0x440;
	s22 =	simm.s32 $0x0;
	[sflag:s13] =	ssyncadd.s32 $0xFFFFE000  }
.LBB2_2:
0x16: {  	v2 =	vld [tilespmem:s21+$0x0]  }
0x17: {  	v3 =	vld [tilespmem:s21+$0x10]  }
0x18: {  	v4 =	vld [tilespmem:s21+$0x20]  }
0x19: {  	v5 =	vld [tilespmem:s21+$0x30]  }
0x1a: {  	v6 =	vld [tilespmem:s21+$0xFFFFFFC0]  }
0x1b: {  	v7 =	vld [tilespmem:s21+$0xFFFFFFD0]  }
0x1c: {  	v8 =	vld [tilespmem:s21+$0xFFFFFFE0]  }
0x1d: {  	v9 =	vld [tilespmem:s21+$0xFFFFFFF0]  }
0x1e: {  	v2 =	vtrunc.f32 v2  }
0x1f: {  	v3 =	vtrunc.f32 v3;
	v4 =	vtrunc.f32 v4  }
0x20: {  	v6 =	vtrunc.f32 v6;
	v5 =	vtrunc.f32 v5  }
0x21: {  	v16 =	vtrunc.f32 v7;
	v17 =	vtrunc.f32 v8  }
0x22: {  	v14 =	vtrunc.f32 v9;
	v9 =	vimm.s32 $0x0;
	v15 =	vcvt.f32.s32 v2  }
0x23: {  	v8 =	vimm.s32 $0x0;
	v18 =	vcvt.f32.s32 v3;
	v11 =	vcvt.f32.s32 v4  }
0x24: {  	v7 =	vimm.s32 $0x0;
	v13 =	vcvt.f32.s32 v6;
	v10 =	vcvt.f32.s32 v5  }
0x25: {  	v6 =	vimm.s32 $0x0;
	v4 =	vimm.s32 $0x0;
	v2 =	vimm.s32 $0x0  }
0x26: {  	s23 =	simm.s32 $0x0;
	s24 =	simm.s32 $0x2;
	s25 =	smov.u32 s21;
	v5 =	vimm.s32 $0x0;
	v3 =	vimm.s32 $0x0;
	v12 =	vand.u32 $0x1, v15  }
.LBB2_3:
0x27: {  	p0 =	slt.u32 s24, $0x1E;
	v16 =	vcvt.f32.s32 v16;
	v17 =	vcvt.f32.s32 v17;
	v19 =	vand.u32 $0x1, v18  }
0x28: {  	v14 =	vcvt.f32.s32 v14;
	v15 =	vshra.s32 v15, $0x1;
	v18 =	vshra.s32 v18, $0x1  }
0x29: {  	v21 =	vshra.s32 v11, $0x1;
	v20 =	vshra.s32 v13, $0x1;
	v22 =	vshra.s32 v10, $0x1  }
0x2a: {  	v23 =	vshra.s32 v16, $0x1;
	v24 =	vshra.s32 v17, $0x1;
	v25 =	vshra.s32 v14, $0x1  }
0x2b: {  	v15 =	vxor.u32 $0x1, v15;
	v18 =	vxor.u32 $0x1, v18;
	v21 =	vxor.u32 $0x1, v21  }
0x2c: {  	s26 =	sadd.s32 $0x1, s23;
	v20 =	vxor.u32 $0x1, v20;
	v22 =	vxor.u32 $0x1, v22;
	v23 =	vxor.u32 $0x1, v23  }
0x2d: {  	v15 =	vshll.u32 v15, s26;
	v24 =	vxor.u32 $0x1, v24;
	v25 =	vxor.u32 $0x1, v25  }
0x2e: {  	v18 =	vshll.u32 v18, s26;
	v21 =	vshll.u32 v21, s26;
	v20 =	vshll.u32 v20, s23  }
0x2f: {  	s25 =	sadd.s32 $0x80, s25;
	v23 =	vshll.u32 v23, s23;
	v9 =	vor.u32 v9, v20;
	v20 =	vshll.u32 v22, s26  }
0x30: {  	v24 =	vshll.u32 v24, s23;
	v25 =	vshll.u32 v25, s23;
	v9 =	vor.u32 v15, v9;
	v22 =	vld [tilespmem:s25+$0x0]  }
0x31: {  	v6 =	vor.u32 v6, v23;
	v4 =	vor.u32 v4, v24;
	v2 =	vor.u32 v2, v25;
	v15 =	vld [tilespmem:s25+$0x10]  }
0x32: {  	v6 =	vor.u32 v18, v6;
	v4 =	vor.u32 v21, v4;
	v2 =	vor.u32 v20, v2;
	v23 =	vld [tilespmem:s25+$0x20]  }
0x33: {  	v13 =	vand.u32 $0x1, v13;
	v16 =	vand.u32 $0x1, v16;
	v17 =	vand.u32 $0x1, v17;
	v18 =	vld [tilespmem:s25+$0x30]  }
0x34: {  	v11 =	vand.u32 $0x1, v11;
	v10 =	vand.u32 $0x1, v10;
	v14 =	vand.u32 $0x1, v14;
	v20 =	vld [tilespmem:s25+$0xFFFFFFC0]  }
0x35: {  	v13 =	vshll.u32 v13, s23;
	v16 =	vshll.u32 v16, s23;
	v17 =	vshll.u32 v17, s23;
	v21 =	vld [tilespmem:s25+$0xFFFFFFD0]  }
0x36: {  	v12 =	vshll.u32 v12, s26;
	v19 =	vshll.u32 v19, s26;
	v14 =	vshll.u32 v14, s23;
	s23 =	smov.u32 s24;
	v24 =	vld [tilespmem:s25+$0xFFFFFFE0]  }
0x37: {  	v11 =	vshll.u32 v11, s26;
	v10 =	vshll.u32 v10, s26;
	v12 =	vor.u32 v13, v12;
	v25 =	vld [tilespmem:s25+$0xFFFFFFF0]  }
0x38: {  	v19 =	vor.u32 v16, v19;
	v11 =	vor.u32 v17, v11;
	v13 =	vtrunc.f32 v22  }
0x39: {  	v10 =	vor.u32 v14, v10;
	v22 =	vtrunc.f32 v15;
	v23 =	vtrunc.f32 v23  }
.Ltmp0:
0x3a: {  	v8 =	vor.u32 v8, v12;
	v26 =	vtrunc.f32 v18;
	v20 =	vtrunc.f32 v20;
	(pc) =	sbr.rel @p0 .LBB2_3-.Ltmp0, $4  }
0x3b: {  	v7 =	vor.u32 v7, v19;
	v16 =	vtrunc.f32 v21;
	v17 =	vtrunc.f32 v24  }
0x3c: {  	v5 =	vor.u32 v5, v11;
	v15 =	vcvt.f32.s32 v13;
	v14 =	vtrunc.f32 v25  }
0x3d: {  	v3 =	vor.u32 v3, v10;
	v18 =	vcvt.f32.s32 v22;
	v11 =	vcvt.f32.s32 v23  }
0x3e: {  	s24 =	sadd.s32 $0x2, s24;
	v12 =	vand.u32 $0x1, v15;
	v10 =	vcvt.f32.s32 v26;
	v13 =	vcvt.f32.s32 v20  }
0x3f: {  	v16 =	vcvt.f32.s32 v16  }
0x40: {  	v17 =	vcvt.f32.s32 v17;
	v19 =	vand.u32 $0x1, v18;
	v14 =	vcvt.f32.s32 v14  }
0x41: {  	v15 =	vshra.s32 v15, $0x1;
	v54 =	vshra.s32 v18, $0x1;
	v21 =	vshra.s32 v11, $0x1  }
0x42: {  	v57 =	vand.u32 $0x1, v11;
	v20 =	vshra.s32 v13, $0x1;
	v22 =	vshra.s32 v10, $0x1  }
0x43: {  	s24 =	sadd.s32 $0x1, s23;
	v15 =	vxor.u32 $0x1, v15;
	v18 =	vxor.u32 $0x1, v54;
	v21 =	vxor.u32 $0x1, v21  }
0x44: {  	v55 =	vand.u32 $0x1, v13;
	v12 =	vshll.u32 v12, s24;
	v56 =	vshll.u32 v19, s24  }
0x45: {  	v59 =	vshll.u32 v57, s24;
	v60 =	vand.u32 $0x1, v10;
	v23 =	vshra.s32 v16, $0x1  }
0x46: {  	v24 =	vshra.s32 v17, $0x1;
	v25 =	vshra.s32 v14, $0x1;
	v20 =	vxor.u32 $0x1, v20  }
0x47: {  	v15 =	vshll.u32 v15, s24;
	v16 =	vand.u32 $0x1, v16;
	v17 =	vand.u32 $0x1, v17  }
0x48: {  	v14 =	vand.u32 $0x1, v14;
	v13 =	vshll.u32 v55, s23;
	v23 =	vxor.u32 $0x1, v23  }
0x49: {  	v24 =	vxor.u32 $0x1, v24;
	v25 =	vxor.u32 $0x1, v25;
	v20 =	vshll.u32 v20, s23  }
0x4a: {  	v16 =	vshll.u32 v16, s23;
	v17 =	vshll.u32 v17, s23;
	v14 =	vshll.u32 v14, s23  }
0x4b: {  	s31 =	sshll.u32 s22, $0x6;
	v12 =	vor.u32 v13, v12;
	v23 =	vshll.u32 v23, s23;
	v24 =	vshll.u32 v24, s23  }
0x4c: {  	v25 =	vshll.u32 v25, s23;
	v9 =	vor.u32 v9, v20;
	v8 =	vor.u32 v8, v12;
	s23 =	sand.u32 $0x3FFFFFC0, s31  }
0x4d: {  	v18 =	vshll.u32 v18, s24;
	v58 =	vor.u32 v16, v56;
	v9 =	vor.u32 v15, v9;
	[tilespmem:s23+$0x2400] =	vst v8  }
0x4e: {  	s22 =	sadd.s32 $0x1, s22;
	v21 =	vshll.u32 v21, s24;
	v6 =	vor.u32 v6, v23;
	v7 =	vor.u32 v7, v58;
	[tilespmem:s23+$0x2500] =	vst v9  }
0x4f: {  	p0 =	sne.s32 s22, $0x4;
	v61 =	vshll.u32 v60, s24;
	v8 =	vor.u32 v17, v59;
	v6 =	vor.u32 v18, v6;
	[tilespmem:s23+$0x2410] =	vst v7  }
.Ltmp1:
0x50: {  	v62 =	vxor.u32 $0x1, v22;
	v4 =	vor.u32 v4, v24;
	v5 =	vor.u32 v5, v8;
	[tilespmem:s23+$0x2510] =	vst v6;
	(pc) =	sbr.rel @p0 .LBB2_2-.Ltmp1, $4  }
0x51: {  	v63 =	vshll.u32 v62, s24;
	v2 =	vor.u32 v2, v25;
	v4 =	vor.u32 v21, v4;
	[tilespmem:s23+$0x2420] =	vst v5  }
0x52: {  	v7 =	vor.u32 v14, v61;
	v2 =	vor.u32 v63, v2;
	[tilespmem:s23+$0x2520] =	vst v4  }
0x53: {  	v3 =	vor.u32 v3, v7;
	[tilespmem:s23+$0x2530] =	vst v2  }
0x54: {  	s21 =	sadd.s32 $0x800, s21;
	[tilespmem:s23+$0x2430] =	vst v3  }
0x55: {  	s0 =	simm.s32 $0x2400  }
0x56: {  	[spmem:s7] =	stream.linear.scatter [tilespmem:s0], [sflag:$0x4], $0x200, $0x38;
	[tilespmem:$0x5010] =	vst v63  }
0x57: {  	_ =	swait.ge [sflag:s15], $0x200  }
0x58: {  	[sflag:s15] =	ssyncset.done $0x0  }
0x59: {  	[sflag:s15] =	ssyncadd.s32 $0xFFFFFE00  }
0x5a: {  	[bflag:$0x0] =	sbarrier.arrive $0xFFFF  }
0x5b: {  	[tilespmem:s16], [sflag:$0x4] =	stream.linear.gather [spmem:s1], $0x2000, $0x38;
	[tilespmem:$0x5010] =	vst v63  }
0x5c: {  	_ =	swait.ge [sflag:s15], $0x2000  }
0x5d: {  	[sflag:s15] =	ssyncset.done $0x0  }
0x5e: {  	[sflag:s15] =	ssyncadd.s32 $0xFFFFE000  }
0x5f: {  	_ =	swait.ge [sflag:s17], $0x400  }
0x60: {  	[sflag:s17] =	ssyncset.done $0x0  }
0x61: {  	[sflag:s17] =	ssyncadd.s32 $0xFFFFFC00  }
0x62: {  	_ =	swait.ge [sflag:s18], $0x800  }
0x63: {  	[sflag:s18] =	ssyncset.done $0x0  }
0x64: {  	[sflag:s18] =	ssyncadd.s32 $0xFFFFF800  }
0x65: {  	v2 =	vld [tilespmem:$0x4C00];
	_ =	sdelay $0x4  }
0x66: {  	v2 =	vperm.xlane v2, v27;
	_ =	sdelay $0x1  }
0x67: {  	(xrf0) =	vmax.scan.msk.f32 $0xffff, v2;
	_ =	sdelay $0x5  }
0x68: {  	v2, _, _ =	vpop (xrf0)  }
0x69: {  	(v2sf) =	vpush v2, $0xF;
	_ =	sdelay $0xe  }
0x6a: {  	s22 =	simm.s32 $0x0;
	v1 =	vimm.f32 $0.0e+00;
	s23 =	simm.s32 $0x0;
	s21 =	spop (v2sf)  }
.LBB2_6:
0x6b: {  	s24 =	sshll.u32 s23, $0x8  }
0x6c: {  	s25 =	sand.u32 $0x3FFFFF00, s24  }
0x6d: {  	v4 =	vld [tilespmem:s25+$0x0]  }
0x6e: {  	v5 =	vld [tilespmem:s25+$0x10]  }
0x6f: {  	v6 =	vld [tilespmem:s25+$0x20]  }
0x70: {  	v7 =	vld [tilespmem:s25+$0x30]  }
0x71: {  	s24 =	sshllo.u32 s23, $0x1;
	v8 =	vld [tilespmem:s25+$0x40]  }
0x72: {  	s26 =	sshll.u32 s24, $0x7;
	v58 =	vld [tilespmem:s25+$0x70];
	v4 =	vtrunc.f32 v4  }
0x73: {  	v55 =	vld [tilespmem:s25+$0x50];
	s14 =	sand.u32 $0x3FFFFF80, s26;
	v4 =	vcvt.f32.s32 v4  }
0x74: {  	[tilespmem:$0x1FF40] =	vst v1;
	v1 =	vld [tilespmem:s14+$0x40];
	v5 =	vtrunc.f32 v5;
	v6 =	vtrunc.f32 v6  }
0x75: {  	v56 =	vld [tilespmem:s25+$0x60];
	v7 =	vtrunc.f32 v7;
	v5 =	vcvt.f32.s32 v5;
	v4 =	vshll.u32 v4, v0  }
0x76: {  	v50 =	vtrunc.f32 v8;
	v8 =	vld [tilespmem:s14+$0x0];
	v6 =	vcvt.f32.s32 v6;
	(xrf0) =	vadd.scan.msk.s32 $0xffff, v4  }
0x77: {  	v9 =	vld [tilespmem:s14+$0x10];
	v63 =	vtrunc.f32 v58;
	v49 =	vcvt.f32.s32 v7;
	v48 =	vshll.u32 v5, v0  }
0x78: {  	v52 =	vcvt.f32.s32 v50;
	v51 =	vshll.u32 v6, v0;
	v4 =	vtrunc.f32 v55;
	(xrf0) =	vadd.scan.msk.s32 $0xffff, v48  }
0x79: {  	v10 =	vld [tilespmem:s14+$0x20];
	v7 =	vtrunc.f32 v1;
	v53 =	vshll.u32 v49, v0;
	v4 =	vcvt.f32.s32 v4;
	(xrf0) =	vadd.scan.msk.s32 $0xffff, v51  }
0x7a: {  	v11 =	vld [tilespmem:s14+$0x30];
	v54 =	vshll.u32 v52, v0;
	v5 =	vtrunc.f32 v56;
	v6 =	vcvt.f32.s32 v63;
	(xrf0) =	vadd.scan.msk.s32 $0xffff, v53  }
0x7b: {  	v12 =	vld [tilespmem:s14+$0x50];
	v5 =	vcvt.f32.s32 v5;
	v8 =	vtrunc.f32 v8;
	v4 =	vshll.u32 v4, v0;
	(xrf0) =	vadd.scan.msk.s32 $0xffff, v54  }
0x7c: {  	v32 =	vcvt.f32.s32 v8;
	v8 =	vtrunc.f32 v9;
	v57, _, _ =	vpop (xrf0);
	(xrf0) =	vadd.scan.msk.s32 $0xffff, v4  }
0x7d: {  	s25 =	simm.s32 $0x2900;
	v33 =	vshll.u32 v6, v0;
	v2 =	vshll.u32 v5, v0;
	v34 =	vcvt.f32.s32 v8  }
0x7e: {  	v16 =	vld [tilespmem:s25+$0xF0];
	v8 =	vtrunc.f32 v10;
	v35 =	vshll.u32 v32, v0;
	(v2sf) =	vpush v57, $0xF;
	v59, _, _ =	vpop (xrf0);
	(xrf0) =	vadd.scan.msk.s32 $0xffff, v2  }
0x7f: {  	v9 =	vld [tilespmem:s14+$0x60];
	v36 =	vcvt.f32.s32 v8;
	v8 =	vtrunc.f32 v11;
	(v2sf) =	vpush v59, $0xF;
	v60, _, _ =	vpop (xrf0);
	(xrf0) =	vadd.scan.msk.s32 $0xffff, v33  }
0x80: {  	v41 =	vtrunc.f32 v12;
	v10 =	vld [tilespmem:s14+$0x70];
	v37 =	vshll.u32 v34, v0;
	(v2sf) =	vpush v60, $0xF;
	v61, _, _ =	vpop (xrf0);
	(xrf0) =	vadd.scan.msk.s32 $0xffff, v35  }
0x81: {  	v17 =	vld [tilespmem:s25+$0xFFFFFFF0];
	v40 =	vcvt.f32.s32 v7;
	v38 =	vcvt.f32.s32 v8;
	(v2sf) =	vpush v61, $0xF;
	v62, _, _ =	vpop (xrf0);
	(xrf0) =	vadd.scan.msk.s32 $0xffff, v37  }
0x82: {  	v18 =	vld [tilespmem:s25+$0xB0];
	v43 =	vcvt.f32.s32 v41;
	v39 =	vshll.u32 v36, v0;
	(v2sf) =	vpush v62, $0xF;
	v8, _, _ =	vpop (xrf0)  }
0x83: {  	v19 =	vld [tilespmem:s25+$0xFFFFFFB0];
	v42 =	vshll.u32 v38, v0;
	(xrf0) =	vadd.scan.msk.s32 $0xffff, v39;
	(v2sf) =	vpush v8, $0xF  }
0x84: {  	v24 =	vld [tilespmem:s25+$0xFFFFFF30];
	v45 =	vshll.u32 v40, v0;
	v48 =	vshll.u32 v43, v0;
	v44 =	vtrunc.f32 v9;
	(xrf0) =	vadd.scan.msk.s32 $0xffff, v42;
	v8, _, _ =	vpop (xrf0)  }
0x85: {  	v25 =	vld [tilespmem:s25+$0xFFFFFF70];
	v46 =	vcvt.f32.s32 v44;
	v47 =	vtrunc.f32 v10;
	(xrf0) =	vadd.scan.msk.s32 $0xffff, v45;
	(v2sf) =	vpush v8, $0xF;
	v50, _, _ =	vpop (xrf0)  }
0x86: {  	v26 =	vld [tilespmem:s25+$0xFFFFFFE0];
	v49 =	vcvt.f32.s32 v47;
	(xrf0) =	vadd.scan.msk.s32 $0xffff, v48;
	(v2sf) =	vpush v50, $0xF;
	v52, _, _ =	vpop (xrf0)  }
0x87: {  	v27 =	vld [tilespmem:s25+$0xFFFFFFA0];
	v51 =	vshll.u32 v46, v0;
	(v2sf) =	vpush v52, $0xF;
	v54, _, _ =	vpop (xrf0)  }
0x88: {  	v28 =	vld [tilespmem:s25+$0xFFFFFF20];
	v53 =	vshll.u32 v49, v0;
	(xrf0) =	vadd.scan.msk.s32 $0xffff, v51;
	(v2sf) =	vpush v54, $0xF  }
0x89: {  	v29 =	vld [tilespmem:s25+$0xFFFFFF60];
	(xrf0) =	vadd.scan.msk.s32 $0xffff, v53;
	v55, _, _ =	vpop (xrf0)  }
0x8a: {  	v31 =	vld [tilespmem:s25+$0xFFFFFF90];
	v56, _, _ =	vpop (xrf0);
	(v2sf) =	vpush v55, $0xF  }
0x8b: {  	v41 =	vld [tilespmem:s25+$0xFFFFFF00];
	v57, _, _ =	vpop (xrf0);
	(v2sf) =	vpush v56, $0xF  }
0x8c: {  	v43 =	vld [tilespmem:s25+$0xFFFFFF40];
	v58, _, _ =	vpop (xrf0);
	(v2sf) =	vpush v57, $0xF  }
0x8d: {  	v32 =	vld [tilespmem:s25+$0xFFFFFF10];
	(v2sf) =	vpush v58, $0xF;
	s26 =	spop (v2sf)  }
0x8e: {  	v33 =	vld [tilespmem:s25+$0xFFFFFF50];
	v59, _, _ =	vpop (xrf0);
	s28 =	spop (v2sf)  }
0x8f: {  	(v2sf) =	vpush v59, $0xF;
	v60, _, _ =	vpop (xrf0);
	v59 =	vld [tilespmem:s25+$0x10];
	s29 =	spop (v2sf);
	s28 =	sshll.u32 s28, $0x10  }
0x90: {  	v52 =	vld [tilespmem:s25+$0x60];
	(v2sf) =	vpush v60, $0xF;
	s30 =	spop (v2sf);
	s26 =	sor.u32 s26, s28  }
0x91: {  	v13 =	vor.u32 s22, v0;
	v60 =	vld [tilespmem:s25+$0x50];
	s31 =	spop (v2sf);
	s30 =	sshll.u32 s30, $0x10;
	v4 =	vmov s26  }
0x92: {  	v12 =	vimm.s32 $0x400;
	v39 =	vld [tilespmem:s25+$0xFFFFFF80];
	s29 =	sor.u32 s29, s30;
	v37 =	vxor.u32 v4, v24;
	v44 =	vxor.u32 v4, v28;
	s0 =	spop (v2sf)  }
0x93: {  	v58 =	vld [tilespmem:s25+$0x90];
	v48 =	vxor.u32 v4, v32;
	v56 =	vxor.u32 v4, v41;
	v5 =	vmov s29;
	s0 =	sshll.u32 s0, $0x10  }
0x94: {  	v30 =	vld [tilespmem:s25+$0xFFFFFFD0];
	v1 =	vand.u32 v48, v59;
	s2 =	spop (v2sf);
	v38 =	vxor.u32 v5, v25;
	v45 =	vxor.u32 v5, v29;
	s0 =	sor.u32 s31, s0  }
0x95: {  	v36 =	vld [tilespmem:s25+$0xFFFFFFC0];
	v51 =	vxor.u32 v5, v33;
	v57 =	vxor.u32 v5, v43;
	s10 =	spop (v2sf);
	v3 =	vmov s0  }
0x96: {  	v55 =	vld [tilespmem:s25+$0xD0];
	v62 =	vand.u32 v45, v52;
	v2 =	vand.u32 v51, v60;
	s11 =	spop (v2sf);
	s10 =	sshll.u32 s10, $0x10;
	v34 =	vxor.u32 v3, v19  }
0x97: {  	s12 =	spop (v2sf);
	s2 =	sor.u32 s2, s10;
	v42 =	vxor.u32 v3, v27;
	v49 =	vxor.u32 v3, v31;
	v53 =	vxor.u32 v3, v39  }
0x98: {  	v50 =	vld [tilespmem:s25+$0x20];
	s12 =	sshll.u32 s12, $0x10;
	v6 =	vmov s2;
	s2 =	simm.s32 $0x30;
	v34 =	vand.u32 v34, v18;
	v63 =	vand.u32 v49, v58  }
0x99: {  	s14 =	spop (v2sf);
	s10 =	sor.u32 s11, s12;
	v20 =	vor.u32 s2, v0;
	v35 =	vxor.u32 v6, v17;
	v40 =	vxor.u32 v6, v26  }
0x9a: {  	s28 =	spop (v2sf);
	v46 =	vxor.u32 v6, v30;
	v54 =	vxor.u32 v6, v36;
	v7 =	vmov s10;
	s10 =	simm.s32 $0x10  }
0x9b: {  	s30 =	spop (v2sf);
	s26 =	sshll.u32 s28, $0x10;
	v35 =	vand.u32 v35, v16;
	v46 =	vand.u32 v46, v55;
	v15 =	vor.u32 s10, v0  }
0x9c: {  	s31 =	spop (v2sf);
	s14 =	sor.u32 s14, s26;
	v24 =	vxor.u32 v7, v24;
	v28 =	vxor.u32 v7, v28;
	v32 =	vxor.u32 v7, v32  }
0x9d: {  	v21 =	vld [tilespmem:s25+$0x30];
	v41 =	vxor.u32 v7, v41;
	s31 =	sshll.u32 s31, $0x10;
	v9 =	vmov s14;
	v28 =	vand.u32 v28, v50  }
0x9e: {  	v22 =	vld [tilespmem:s25+$0x70];
	s11 =	spop (v2sf);
	v32 =	vand.u32 v32, v59;
	s26 =	sor.u32 s30, s31;
	v25 =	vxor.u32 v9, v25;
	v29 =	vxor.u32 v9, v29  }
0x9f: {  	v23 =	vld [tilespmem:s25+$0xE0];
	s28 =	spop (v2sf);
	v33 =	vxor.u32 v9, v33;
	v43 =	vxor.u32 v9, v43;
	v10 =	vmov s26  }
0xa0: {  	v47 =	vld [tilespmem:s25+$0xA0];
	s30 =	sshll.u32 s28, $0x10;
	v29 =	vand.u32 v29, v52;
	v33 =	vand.u32 v33, v60;
	v19 =	vxor.u32 v10, v19  }
0xa1: {  	s31 =	sor.u32 s11, s30;
	v27 =	vxor.u32 v10, v27;
	v31 =	vxor.u32 v10, v31;
	v39 =	vxor.u32 v10, v39  }
0xa2: {  	s11 =	simm.s32 $0x20;
	v28 =	vor.u32 v28, v29;
	v32 =	vor.u32 v32, v33;
	v11 =	vmov s31  }
0xa3: {  	v14 =	vor.u32 s11, v0;
	v18 =	vand.u32 v19, v18;
	v19 =	vand.u32 v37, v21  }
0xa4: {  	v37 =	vand.u32 v38, v22;
	v21 =	vand.u32 v24, v21;
	v38 =	vand.u32 v40, v23  }
0xa5: {  	v61 =	vld [tilespmem:s25+$0x40];
	v22 =	vand.u32 v25, v22;
	v40 =	vand.u32 v42, v47;
	v27 =	vand.u32 v27, v47  }
0xa6: {  	s26 =	simm.s32 $0x2B00;
	v31 =	vand.u32 v31, v58;
	v17 =	vxor.u32 v11, v17;
	v26 =	vxor.u32 v11, v26  }
0xa7: {  	v8 =	vld [tilespmem:s26+$0xF0];
	v30 =	vxor.u32 v11, v30;
	v36 =	vxor.u32 v11, v36;
	v19 =	vor.u32 v19, v37  }
0xa8: {  	v59 =	vld [tilespmem:s26+$0xE0];
	v21 =	vor.u32 v21, v22;
	v22 =	vor.u32 v1, v2;
	v27 =	vor.u32 v27, v28  }
0xa9: {  	v60 =	vld [tilespmem:s26+$0xFFFFFF30];
	v16 =	vand.u32 v17, v16;
	v23 =	vand.u32 v26, v23;
	v26 =	vand.u32 v44, v50  }
0xaa: {  	v48 =	vld [tilespmem:s26+$0xFFFFFF40];
	v30 =	vand.u32 v30, v55;
	v55 =	vand.u32 v57, v61;
	v19 =	vor.u32 v34, v19  }
0xab: {  	v24 =	vld [tilespmem:s25+$0x80];
	v18 =	vor.u32 v18, v21;
	v21 =	vor.u32 v63, v22;
	v22 =	vor.u32 v31, v32  }
0xac: {  	v25 =	vld [tilespmem:s25+$0x0];
	v57 =	vimm.f32 $0.0e+00;
	v26 =	vor.u32 v26, v62;
	v19 =	vor.u32 v35, v19  }
0xad: {  	v17 =	vld [tilespmem:s25+$0xC0];
	v23 =	vor.u32 v23, v27;
	v16 =	vor.u32 v16, v18;
	v21 =	vor.u32 v46, v21  }
0xae: {  	v2 =	vld [tilespmem:s26+$0x30];
	v22 =	vor.u32 v30, v22;
	v26 =	vor.u32 v40, v26;
	vm4 =	veq.s32 v19, $0x0  }
0xaf: {  	v31 =	vld [tilespmem:s26+$0xFFFFFFB0];
	vm1 =	veq.s32 v16, $0x0;
	vm6 =	veq.s32 v21, $0x0;
	vm5 =	veq.s32 v23, $0x0  }
0xb0: {  	v63 =	vld [tilespmem:s26+$0xFFFFFFA0];
	vm8 =	veq.s32 v22, $0x0;
	v32 =	vxor.u32 v7, v60;
	v50 =	vxor.u32 v5, v48  }
0xb1: {  	v62 =	vld [tilespmem:s26+$0xFFFFFFE0];
	v42 =	vxor.u32 v9, v48;
	v53 =	vand.u32 v53, v24;
	v26 =	vor.u32 v38, v26  }
0xb2: {  	v46 =	vld [tilespmem:s26+$0xFFFFFF00];
	v24 =	vand.u32 v39, v24;
	vm2 =	veq.s32 v26, $0x0;
	v52 =	vand.u32 v54, v17  }
0xb3: {  	v58 =	vld [tilespmem:s26+$0x70];
	v17 =	vand.u32 v36, v17;
	v54 =	vand.u32 v56, v25;
	v25 =	vand.u32 v41, v25  }
0xb4: {  	[tilespmem:$0x1FFA0] =	vst v2;
	v56 =	vand.u32 v43, v61;
	v61 =	vld [tilespmem:s26+$0xFFFFFF70];
	v39 =	vxor.u32 v3, v31;
	v31 =	vxor.u32 v10, v31  }
0xb5: {  	s25 =	simm.s32 $0x4C00;
	v38 =	vxor.u32 v10, v63;
	v35 =	vld [tilespmem:$0x1FFA0];
	v29 =	vor.u32 v54, v55;
	v25 =	vor.u32 v25, v56  }
0xb6: {  	v34 =	vxor.u32 v6, v62;
	v29 =	vor.u32 v53, v29;
	v24 =	vor.u32 v24, v25;
	v25 =	vld [tilespmem:s25+$0xFFFFFC00]  }
0xb7: {  	v28 =	vld [tilespmem:s25+$0x30];
	v37 =	vxor.u32 v11, v62;
	v45 =	vxor.u32 v4, v46;
	v18 =	vor.u32 v52, v29  }
0xb8: {  	v16 =	vld [tilespmem:s25+$0xFFFFFC10];
	v47 =	vxor.u32 v7, v46;
	v17 =	vor.u32 v17, v24;
	vm3 =	veq.s32 v18, $0x0  }
0xb9: {  	v29 =	vld [tilespmem:s25+$0x0];
	v52 =	vxor.u32 v4, v60;
	vm9 =	veq.s32 v17, $0x0;
	vm10 =	vmor vm0, vm3  }
0xba: {  	v27 =	vld [tilespmem:s25+$0x20];
	v2 =	vxor.u32 v5, v61;
	v53 =	vxor.u32 v9, v61;
	v61 =	vxor.u32 v3, v63  }
0xbb: {  	v23 =	vld [tilespmem:s25+$0x10];
	v46 =	vand.u32 v52, v35;
	v35 =	vand.u32 v32, v35;
	vm7 =	vgt.f32 v25, v57  }
0xbc: {  	v18 =	vld [tilespmem:s25+$0xFFFFFC20];
	vm10 =	vmor vm10, vm6;
	vm3 =	vmand vm7, vm3;
	vm7 =	vmand vm7, vm9  }
0xbd: {  	v22 =	vld [tilespmem:s26+$0xB0];
	vm10 =	vmor vm10, vm2;
	v19 =	vsel vm3, v25, v57;
	v21 =	vsel vm7, v25, v57  }
0xbe: {  	v40 =	vld [tilespmem:s26+$0xFFFFFF80];
	v24 =	vsel vm7, v29, v57;
	vm11 =	vgt.f32 v16, v19;
	vm15 =	vgt.f32 v16, v21  }
0xbf: {  	v17 =	vld [tilespmem:s25+$0xFFFFFC30];
	v26 =	vsel vm7, v13, v12;
	vm6 =	vmand vm11, vm6;
	vm7 =	vmand vm15, vm8  }
0xc0: {  	v48 =	vld [tilespmem:s26+$0x10];
	vm9 =	vmor vm0, vm9;
	v19 =	vsel vm6, v16, v19;
	v16 =	vsel vm7, v16, v21  }
0xc1: {  	v43 =	vld [tilespmem:s26+$0x50];
	v24 =	vsel vm7, v23, v24;
	vm11 =	vgt.f32 v18, v19;
	vm12 =	vgt.f32 v18, v16  }
0xc2: {  	v32 =	vld [tilespmem:s26+$0x80];
	v26 =	vsel vm7, v15, v26;
	vm7 =	vmand vm11, vm2;
	vm12 =	vmand vm12, vm5  }
0xc3: {  	[tilespmem:$0x1FFC0] =	vst v59;
	v25 =	vld [tilespmem:s26+$0xFFFFFFF0];
	v12 =	vsel vm3, v13, v12;
	v19 =	vsel vm7, v18, v19;
	v16 =	vsel vm12, v18, v16  }
0xc4: {  	v52 =	vld [tilespmem:$0x1FFC0];
	vm8 =	vmor vm9, vm8;
	vm13 =	vgt.f32 v17, v19;
	vm14 =	vgt.f32 v17, v16  }
0xc5: {  	[tilespmem:$0x1FFD0] =	vst v61;
	v61 =	vld [tilespmem:s26+$0x60];
	vm2 =	vmor vm10, vm4;
	vm4 =	vmand vm13, vm4;
	vm15 =	vmand vm14, vm1  }
0xc6: {  	s14 =	simm.s32 $0x70;
	v21 =	vsel vm4, v17, v19;
	v19 =	vsel vm15, v17, v16;
	v17 =	vsel vm12, v14, v26;
	v26 =	vld [tilespmem:s26+$0xFFFFFF20]  }
0xc7: {  	v15 =	vsel vm6, v15, v12;
	v12 =	vor.u32 s14, v0;
	v16 =	vsel vm3, v29, v57;
	v29 =	vld [tilespmem:s26+$0xFFFFFF10]  }
0xc8: {  	v41 =	vxor.u32 v11, v25;
	v24 =	vsel vm12, v27, v24;
	v16 =	vsel vm6, v23, v16;
	v23 =	vld [tilespmem:s26+$0xFFFFFF60]  }
0xc9: {  	s12 =	simm.s32 $0x40;
	v18 =	vsel vm15, v20, v17;
	v17 =	vsel vm15, v28, v24;
	v24 =	vld [tilespmem:s26+$0xFFFFFFD0];
	v13 =	vsel vm7, v27, v16  }
0xca: {  	s30 =	simm.s32 $0x50;
	s31 =	simm.s32 $0x60;
	v27 =	vld [tilespmem:s26+$0xFFFFFF90];
	v16 =	vsel vm4, v28, v13;
	v13 =	vor.u32 s12, v0;
	v28 =	vsel vm7, v14, v15  }
0xcb: {  	v15 =	vor.u32 s30, v0;
	v14 =	vor.u32 s31, v0;
	v0 =	vxor.u32 v6, v25;
	v25 =	vld [tilespmem:s26+$0xFFFFFFC0]  }
0xcc: {  	v30 =	vxor.u32 v10, v40;
	vm5 =	vmor vm8, vm5;
	v20 =	vsel vm4, v20, v28;
	v28 =	vld [tilespmem:s26+$0xFFFFFF50]  }
0xcd: {  	vm1 =	vmor vm5, vm1;
	v49 =	vxor.u32 v4, v26;
	v36 =	vxor.u32 v7, v26;
	v26 =	vld [tilespmem:s26+$0xA0]  }
0xce: {  	[tilespmem:$0x1FF70] =	vst v4;
	v55 =	vxor.u32 v4, v29;
	v59 =	vxor.u32 v7, v29;
	v29 =	vand.u32 v34, v52;
	v4 =	vld [tilespmem:$0x1FFD0]  }
0xcf: {  	[tilespmem:$0x1FF50] =	vst v3;
	v62 =	vxor.u32 v6, v24;
	v56 =	vxor.u32 v3, v27;
	v57 =	vxor.u32 v10, v27;
	v27 =	vld [tilespmem:s26+$0x20]  }
0xd0: {  	v33 =	vxor.u32 v5, v23;
	v63 =	vxor.u32 v11, v24;
	[tilespmem:$0x1FFE0] =	vst v62;
	v62 =	vxor.u32 v3, v40;
	v3 =	vld [tilespmem:s26+$0xD0]  }
0xd1: {  	[tilespmem:$0x1FFB0] =	vst v58;
	v54 =	vxor.u32 v9, v23;
	v23 =	vand.u32 v31, v22;
	v24 =	vand.u32 v37, v52;
	v40 =	vld [tilespmem:s26+$0x90]  }
0xd2: {  	[tilespmem:$0x1FFF0] =	vst v63;
	v63 =	vxor.u32 v6, v25;
	v51 =	vxor.u32 v11, v25;
	v25 =	vand.u32 v0, v8;
	v0 =	vld [tilespmem:s26+$0x40]  }
0xd3: {  	[tilespmem:$0x1FF60] =	vst v6;
	v58 =	vxor.u32 v5, v28;
	v60 =	vxor.u32 v9, v28;
	v28 =	vand.u32 v39, v22;
	v39 =	vld [tilespmem:$0x1FFB0]  }
0xd4: {  	[tilespmem:$0x1FF90] =	vst v7;
	v7 =	vand.u32 v55, v48;
	v54 =	vand.u32 v54, v61;
	v6 =	vld [tilespmem:$0x1FFF0];
	v22 =	vand.u32 v41, v8  }
0xd5: {  	[tilespmem:$0x1FF80] =	vst v5;
	v5 =	vld [tilespmem:$0x1FFE0];
	v34 =	vand.u32 v4, v26;
	v26 =	vand.u32 v38, v26;
	v38 =	vand.u32 v33, v61  }
0xd6: {  	v41 =	vld [tilespmem:s26+$0xC0];
	v61 =	vand.u32 v58, v43;
	v33 =	vand.u32 v59, v48;
	v37 =	vand.u32 v60, v43  }
0xd7: {  	v43 =	vand.u32 v62, v32;
	v32 =	vand.u32 v30, v32;
	v49 =	vand.u32 v49, v27  }
0xd8: {  	v31 =	vand.u32 v57, v40;
	v48 =	vand.u32 v50, v0;
	v44 =	vand.u32 v2, v39;
	v2 =	vld [tilespmem:s26+$0x0]  }
0xd9: {  	v42 =	vand.u32 v42, v0;
	v52 =	vand.u32 v53, v39;
	v53 =	vand.u32 v36, v27  }
0xda: {  	v39 =	vand.u32 v56, v40;
	v36 =	vand.u32 v5, v3;
	v27 =	vand.u32 v6, v3  }
0xdb: {  	v40 =	vand.u32 v63, v41;
	v30 =	vand.u32 v51, v41;
	v44 =	vor.u32 v46, v44  }
0xdc: {  	v35 =	vor.u32 v35, v52;
	v46 =	vor.u32 v49, v38;
	v38 =	vor.u32 v53, v54  }
0xdd: {  	s29 =	simm.s32 $0x80;
	s28 =	sshll.u32 s23, $0x1;
	v45 =	vand.u32 v45, v2;
	v41 =	vand.u32 v47, v2;
	v47 =	vor.u32 v7, v61  }
.LBB2_7:
0xde: {  	v5 =	vld [tilespmem:$0x1FF50]  }
0xdf: {  	v6 =	vld [tilespmem:$0x1FF60]  }
0xe0: {  	v0 =	vor.u32 v45, v48;
	v2 =	vor.u32 v41, v42;
	v63 =	vld [tilespmem:$0x1FF70]  }
0xe1: {  	v3 =	vor.u32 v33, v37;
	v50 =	vor.u32 v34, v46;
	v28 =	vor.u32 v28, v44;
	v4 =	vld [tilespmem:$0x1FF80]  }
0xe2: {  	v23 =	vor.u32 v23, v35;
	v51 =	vor.u32 v39, v47;
	v26 =	vor.u32 v26, v38;
	s25 =	sadd.s32 $0x40, s25;
	v7 =	vld [tilespmem:$0x1FF90]  }
0xe3: {  	s26 =	sadd.s32 $0x200, s26;
	v1 =	vlaneseq.u32;
	v3 =	vor.u32 v31, v3;
	v25 =	vor.u32 v25, v28;
	v28 =	vld [tilespmem:s25+$0xFFFFFC00]  }
0xe4: {  	v0 =	vor.u32 v43, v0;
	v2 =	vor.u32 v32, v2;
	v29 =	vor.u32 v29, v50;
	v55 =	vld [tilespmem:s26+$0xFFFFFF70]  }
0xe5: {  	v24 =	vor.u32 v24, v26;
	v22 =	vor.u32 v22, v23;
	v23 =	vor.u32 v36, v51;
	v56 =	vld [tilespmem:s26+$0xFFFFFFE0]  }
0xe6: {  	v57 =	vld [tilespmem:s26+$0xFFFFFFA0];
	v0 =	vor.u32 v40, v0;
	v3 =	vor.u32 v27, v3;
	v2 =	vor.u32 v30, v2  }
0xe7: {  	v59 =	vld [tilespmem:s26+$0xFFFFFF60];
	vm5 =	veq.s32 v25, $0x0;
	vm3 =	veq.s32 v22, $0x0;
	vm7 =	veq.s32 v23, $0x0  }
0xe8: {  	v60 =	vld [tilespmem:s26+$0xFFFFFF90];
	vm9 =	veq.s32 v29, $0x0;
	vm4 =	veq.s32 v0, $0x0;
	vm10 =	veq.s32 v2, $0x0  }
0xe9: {  	v61 =	vld [tilespmem:s26+$0xFFFFFF10];
	vm8 =	veq.s32 v3, $0x0;
	vm2 =	vmor vm2, vm4;
	vm1 =	vmor vm1, vm10  }
0xea: {  	v62 =	vld [tilespmem:s26+$0xFFFFFFC0];
	vm6 =	veq.s32 v24, $0x0;
	vm2 =	vmor vm2, vm7;
	vm1 =	vmor vm1, vm8  }
0xeb: {  	v31 =	vld [tilespmem:s25+$0x30];
	vm11 =	vgt.f32 v28, v21;
	vm12 =	vgt.f32 v28, v19;
	vm2 =	vmor vm2, vm9  }
0xec: {  	v24 =	vld [tilespmem:s26+$0xFFFFFFF0];
	vm1 =	vmor vm1, vm6;
	v40 =	vxor.u32 v4, v55;
	v42 =	vxor.u32 v6, v56  }
0xed: {  	v27 =	vld [tilespmem:s25+$0x0];
	v33 =	vxor.u32 v9, v55;
	v44 =	vxor.u32 v5, v57;
	v2 =	vxor.u32 v10, v57  }
0xee: {  	v25 =	vld [tilespmem:s25+$0xFFFFFC10];
	v34 =	vxor.u32 v11, v56;
	v47 =	vxor.u32 v4, v59;
	v50 =	vxor.u32 v63, v61  }
0xef: {  	v26 =	vld [tilespmem:s25+$0x20];
	v51 =	vxor.u32 v5, v60;
	v35 =	vxor.u32 v7, v61;
	v56 =	vxor.u32 v6, v62  }
0xf0: {  	v52 =	vld [tilespmem:s25+$0x10];
	v38 =	vxor.u32 v11, v62;
	vm4 =	vmand vm11, vm4;
	vm14 =	vmand vm12, vm10  }
0xf1: {  	v53 =	vld [tilespmem:s25+$0xFFFFFC30];
	vm2 =	vmor vm2, vm5;
	vm1 =	vmor vm1, vm3;
	v37 =	vxor.u32 v6, v24  }
0xf2: {  	v54 =	vld [tilespmem:s25+$0xFFFFFC20];
	v24 =	vxor.u32 v11, v24;
	v21 =	vsel vm4, v28, v21;
	v19 =	vsel vm14, v28, v19  }
0xf3: {  	v32 =	vld [tilespmem:s26+$0xE0];
	v17 =	vsel vm14, v27, v17;
	v18 =	vsel vm14, v13, v18;
	vm11 =	vgt.f32 v25, v21  }
0xf4: {  	v28 =	vld [tilespmem:s26+$0xFFFFFFB0];
	v58 =	vsel vm4, v27, v16;
	vm12 =	vgt.f32 v25, v19;
	vm7 =	vmand vm11, vm7  }
0xf5: {  	v27 =	vld [tilespmem:s26+$0xFFFFFF20];
	v13 =	vsel vm4, v13, v20;
	vm15 =	vmand vm12, vm8;
	v21 =	vsel vm7, v25, v21  }
0xf6: {  	v45 =	vld [tilespmem:s26+$0xFFFFFF40];
	v19 =	vsel vm15, v25, v19;
	v17 =	vsel vm15, v52, v17;
	v18 =	vsel vm15, v15, v18  }
0xf7: {  	v22 =	vld [tilespmem:s26+$0xF0];
	v0 =	vsel vm7, v52, v58;
	v15 =	vsel vm7, v15, v13;
	vm11 =	vgt.f32 v54, v21  }
0xf8: {  	v23 =	vld [tilespmem:s26+$0xB0];
	v13 =	vor.u32 s29, v1;
	vm12 =	vgt.f32 v54, v19;
	vm9 =	vmand vm11, vm9  }
0xf9: {  	v25 =	vld [tilespmem:s26+$0xFFFFFF30];
	vm12 =	vmand vm12, vm6;
	v36 =	vxor.u32 v5, v28;
	v41 =	vxor.u32 v10, v28  }
0xfa: {  	v52 =	vld [tilespmem:s26+$0x20];
	v46 =	vxor.u32 v63, v27;
	v27 =	vxor.u32 v7, v27;
	v21 =	vsel vm9, v54, v21  }
0xfb: {  	s2 =	sadd.s32 $0x10, s29;
	v29 =	vld [tilespmem:s26+$0x30];
	v3 =	vsel vm12, v54, v19;
	v16 =	vsel vm12, v14, v18;
	v17 =	vsel vm12, v26, v17  }
0xfc: {  	s10 =	sadd.s32 $0x20, s29;
	v30 =	vld [tilespmem:s26+$0x70];
	v0 =	vsel vm9, v26, v0;
	v20 =	vsel vm9, v14, v15;
	v15 =	vor.u32 s2, v1  }
0xfd: {  	v28 =	vld [tilespmem:s26+$0xFFFFFF80];
	v14 =	vor.u32 s10, v1;
	vm13 =	vgt.f32 v53, v21;
	vm14 =	vgt.f32 v53, v3  }
0xfe: {  	v57 =	vld [tilespmem:s26+$0xD0];
	vm5 =	vmand vm13, vm5;
	vm15 =	vmand vm14, vm3;
	v39 =	vxor.u32 v63, v25  }
0xff: {  	v61 =	vld [tilespmem:s26+$0x90];
	v43 =	vxor.u32 v7, v25;
	v46 =	vand.u32 v46, v52;
	v52 =	vand.u32 v27, v52  }
0x100: {  	s0 =	sadd.s32 $0x30, s29;
	v26 =	vld [tilespmem:s26+$0xFFFFFFD0];
	v21 =	vsel vm5, v53, v21;
	v19 =	vsel vm15, v53, v3;
	v18 =	vsel vm15, v12, v16  }
0x101: {  	v25 =	vld [tilespmem:s26+$0xFFFFFF00];
	v17 =	vsel vm15, v31, v17;
	v16 =	vsel vm5, v31, v0;
	v31 =	vor.u32 s0, v1  }
0x102: {  	v20 =	vsel vm5, v12, v20;
	v0 =	vxor.u32 v10, v60;
	v12 =	vmovc v31;
	v31 =	vld [tilespmem:s26+$0xFFFFFF50];
	v55 =	vxor.u32 v5, v28  }
0x103: {  	v60 =	vxor.u32 v10, v28;
	v28 =	vand.u32 v36, v23;
	v23 =	vand.u32 v41, v23;
	v41 =	vld [tilespmem:s26+$0xC0]  }
0x104: {  	v1 =	vand.u32 v39, v29;
	v5 =	vand.u32 v43, v29;
	v29 =	vand.u32 v42, v32;
	v42 =	vld [tilespmem:s26+$0x0]  }
0x105: {  	v3 =	vxor.u32 v9, v59;
	v48 =	vxor.u32 v6, v26;
	v49 =	vxor.u32 v11, v26;
	v26 =	vld [tilespmem:s26+$0xA0]  }
0x106: {  	v59 =	vxor.u32 v4, v45;
	v39 =	vand.u32 v51, v61;
	v6 =	vld [tilespmem:s26+$0x80];
	v36 =	vand.u32 v48, v57  }
0x107: {  	v27 =	vand.u32 v49, v57;
	v58 =	vxor.u32 v63, v25;
	v63 =	vxor.u32 v9, v45;
	v45 =	vld [tilespmem:s26+$0x10]  }
0x108: {  	v62 =	vxor.u32 v7, v25;
	v25 =	vand.u32 v37, v22;
	v37 =	vld [tilespmem:s26+$0x50];
	v22 =	vand.u32 v24, v22  }
0x109: {  	v24 =	vand.u32 v34, v32;
	v53 =	vxor.u32 v4, v31;
	v54 =	vxor.u32 v9, v31;
	v31 =	vld [tilespmem:s26+$0x60]  }
0x10a: {  	v7 =	vand.u32 v33, v30;
	v4 =	vand.u32 v40, v30;
	v40 =	vand.u32 v56, v41  }
0x10b: {  	v30 =	vand.u32 v38, v41;
	v34 =	vand.u32 v44, v26;
	v26 =	vand.u32 v2, v26;
	v2 =	vld [tilespmem:s26+$0x40]  }
0x10c: {  	p0 =	sne.s32 s29, $0x3C0;
	v41 =	vand.u32 v62, v42;
	v43 =	vand.u32 v55, v6;
	v32 =	vand.u32 v60, v6  }
.Ltmp2:
0x10d: {  	v44 =	vor.u32 v1, v4;
	v57 =	vand.u32 v53, v37;
	v33 =	vand.u32 v35, v45;
	(pc) =	sbr.rel @p0 .LBB2_7-.Ltmp2, $4  }
0x10e: {  	v37 =	vand.u32 v54, v37;
	v35 =	vor.u32 v5, v7;
	v8 =	vand.u32 v47, v31  }
0x10f: {  	v3 =	vand.u32 v3, v31;
	v47 =	vand.u32 v50, v45;
	v31 =	vand.u32 v0, v61  }
0x110: {  	v45 =	vand.u32 v58, v42;
	v48 =	vand.u32 v59, v2;
	v42 =	vand.u32 v63, v2  }
0x111: {  	s29 =	sadd.s32 $0x40, s29;
	v47 =	vor.u32 v47, v57;
	v46 =	vor.u32 v46, v8;
	v38 =	vor.u32 v52, v3  }
0x112: {  	s25 =	sadd.s32 $0x40, s25  }
0x113: {  	v0 =	vld [tilespmem:s25+$0xFFFFFC00];
	_ =	sdelay $0x1  }
0x114: {  	v1 =	vor.u32 v45, v48  }
0x115: {  	v1 =	vor.u32 v43, v1;
	v2 =	vld [tilespmem:s25+$0xFFFFFC10]  }
0x116: {  	v1 =	vor.u32 v40, v1  }
0x117: {  	vm12 =	veq.s32 v1, $0x0;
	vm3 =	vgt.f32 v0, v21  }
0x118: {  	v3 =	vld [tilespmem:s25+$0xFFFFFC20];
	v1 =	vor.u32 v39, v47;
	vm4 =	vmand vm3, vm12  }
0x119: {  	v1 =	vor.u32 v36, v1;
	v4 =	vsel vm4, v0, v21  }
0x11a: {  	vm13 =	veq.s32 v1, $0x0;
	vm3 =	vgt.f32 v2, v4  }
0x11b: {  	v5 =	vld [tilespmem:s25+$0xFFFFFC30];
	v1 =	vor.u32 v34, v46;
	vm6 =	vmand vm3, vm13  }
0x11c: {  	v1 =	vor.u32 v29, v1;
	v4 =	vsel vm6, v2, v4  }
0x11d: {  	vm15 =	veq.s32 v1, $0x0;
	vm3 =	vgt.f32 v3, v4  }
0x11e: {  	v1 =	vor.u32 v28, v44;
	vm7 =	vmand vm3, vm15  }
0x11f: {  	v1 =	vor.u32 v25, v1;
	v4 =	vsel vm7, v3, v4  }
0x120: {  	vm14 =	veq.s32 v1, $0x0;
	vm3 =	vgt.f32 v5, v4  }
0x121: {  	vm9 =	vmand vm3, vm14  }
0x122: {  	v1 =	vsel vm9, v5, v4  }
0x123: {  	(xrf0) =	vmax.scan.msk.f32 $0xffff, v1;
	_ =	sdelay $0x4  }
0x124: {  	v57 =	vsel vm4, v13, v20  }
0x125: {  	v4 =	vsel vm6, v15, v57;
	v6, _, _ =	vpop (xrf0)  }
0x126: {  	v4 =	vsel vm7, v14, v4;
	v7 =	vbroadcast v6, $0xF  }
0x127: {  	v4 =	vsel vm9, v12, v4  }
0x128: {  	vm11 =	veq.f32 v1, v7;
	v1 =	vxor.u32 $0x80000000, v4  }
0x129: {  	v1 =	vnsel vm11, $0x80000400, v1  }
0x12a: {  	(xrf0) =	vmin.scan.msk.u32 $0xffff, v1;
	_ =	sdelay $0x5  }
0x12b: {  	(v2sf) =	vpush v6, $0xF;
	v1, _, _ =	vpop (xrf0)  }
0x12c: {  	(v2sf) =	vpush v1, $0xF;
	_ =	sdelay $0x1  }
0x12d: {  	v1 =	vor.u32 v41, v42  }
0x12e: {  	v1 =	vor.u32 v32, v1  }
0x12f: {  	v1 =	vor.u32 v30, v1  }
0x130: {  	v58 =	vor.u32 v33, v37;
	vm5 =	vgt.f32 v0, v19;
	vm3 =	veq.s32 v1, $0x0  }
0x131: {  	v1 =	vor.u32 v31, v58;
	vm8 =	vmand vm5, vm3  }
0x132: {  	v1 =	vor.u32 v27, v1;
	v0 =	vsel vm8, v0, v19  }
0x133: {  	vm5 =	veq.s32 v1, $0x0;
	vm10 =	vgt.f32 v2, v0  }
0x134: {  	v9 =	vimm.s32 $0x0;
	v1 =	vor.u32 v26, v38;
	vm10 =	vmand vm10, vm5  }
0x135: {  	vm12 =	vmor vm2, vm12;
	v1 =	vor.u32 v24, v1;
	v0 =	vsel vm10, v2, v0;
	v2 =	vld [tilespmem:s25+$0x0]  }
0x136: {  	v59 =	vld [tilespmem:s25+$0x10];
	vm12 =	vmor vm12, vm13;
	vm2 =	veq.s32 v1, $0x0;
	vm13 =	vgt.f32 v3, v0  }
0x137: {  	v60 =	vld [tilespmem:s25+$0x20];
	vm12 =	vmor vm12, vm15;
	v1 =	vor.u32 v23, v35;
	vm13 =	vmand vm13, vm2  }
0x138: {  	vm14 =	vmor vm12, vm14;
	v1 =	vor.u32 v22, v1;
	v0 =	vsel vm13, v3, v0;
	v3 =	vld [tilespmem:s25+$0x30]  }
0x139: {  	s0 =	spop (v2sf);
	vm12 =	veq.s32 v1, $0x0;
	v1 =	vsel vm14, $0x1, v9;
	vm14 =	vgt.f32 v5, v0  }
0x13a: {  	v1 =	vor.u32 $0x80000000, v1;
	vm14 =	vmand vm14, vm12;
	v8 =	vsel vm4, v2, v16;
	s2 =	spop (v2sf)  }
0x13b: {  	(xrf0) =	vmax.scan.msk.u32 $0xffff, v1;
	v0 =	vsel vm14, v5, v0;
	v1 =	vsel vm6, v59, v8;
	s2 =	sxor.u32 $0x80000000, s2  }
0x13c: {  	(xrf0) =	vmax.scan.msk.f32 $0xffff, v0;
	v1 =	vsel vm7, v60, v1;
	vm15 =	veq.s32 v4, s2  }
0x13d: {  	v1 =	vsel vm9, v3, v1;
	vm4 =	vmand vm11, vm15  }
0x13e: {  	v1 =	vnsel vm4, $0x0, v1;
	_ =	sdelay $0x1  }
0x13f: {  	(xrf2) =	vadd.scan.msk.f32 $0xffff, v1  }
0x140: {  	v61 =	vsel vm8, v13, v18;
	v1, _, _ =	vpop (xrf0)  }
0x141: {  	v4 =	vsel vm10, v15, v61;
	v62, _, _ =	vpop (xrf0)  }
0x142: {  	v4 =	vsel vm13, v14, v4;
	v63 =	vbroadcast v62, $0xF  }
0x143: {  	v4 =	vsel vm14, v12, v4  }
0x144: {  	vm11 =	veq.f32 v0, v63;
	v0 =	vxor.u32 $0x80000000, v4  }
0x145: {  	v0 =	vnsel vm11, $0x80000400, v0  }
0x146: {  	(xrf0) =	vmin.scan.msk.u32 $0xffff, v0;
	_ =	sdelay $0x2  }
0x147: {  	v0, _, _ =	vpop (xrf2)  }
0x148: {  	(v2sf) =	vpush v0, $0xF  }
0x149: {  	(v2sf) =	vpush v1, $0xF  }
0x14a: {  	(v2sf) =	vpush v62, $0xF;
	v0, _, _ =	vpop (xrf0)  }
0x14b: {  	(v2sf) =	vpush v0, $0xF;
	_ =	sdelay $0xb  }
0x14c: {  	s2 =	spop (v2sf)  }
0x14d: {  	s10 =	spop (v2sf)  }
0x14e: {  	s11 =	spop (v2sf)  }
0x14f: {  	v0 =	vsel vm8, v2, v17;
	s12 =	spop (v2sf)  }
0x150: {  	v0 =	vsel vm10, v59, v0;
	s12 =	sxor.u32 $0x80000000, s12  }
0x151: {  	v0 =	vsel vm13, v60, v0;
	vm15 =	veq.s32 v4, s12  }
0x152: {  	v0 =	vsel vm14, v3, v0;
	vm4 =	vmand vm11, vm15  }
0x153: {  	vm1 =	vmor vm1, vm3;
	v0 =	vnsel vm4, $0x0, v0  }
0x154: {  	vm1 =	vmor vm1, vm5;
	(xrf2) =	vadd.scan.msk.f32 $0xffff, v0  }
0x155: {  	vm1 =	vmor vm1, vm2  }
0x156: {  	vm1 =	vmor vm1, vm12  }
0x157: {  	v0 =	vsel vm1, $0x1, v9  }
0x158: {  	v0 =	vor.u32 $0x80000000, v0  }
0x159: {  	(xrf0) =	vmax.scan.msk.u32 $0xffff, v0;
	_ =	sdelay $0x4  }
0x15a: {  	v0, _, _ =	vpop (xrf2)  }
0x15b: {  	(v2sf) =	vpush v0, $0xF;
	v0, _, _ =	vpop (xrf0)  }
0x15c: {  	(v2sf) =	vpush v0, $0xF;
	_ =	sdelay $0xb  }
0x15d: {  	p0 =	sgt.f32 s0, $0.0e+00;
	s0 =	smov.u32 s21;
	p1 =	sgt.u32 s10, $0x80000000  }
0x15e: {  	s23 =	sadd.s32 $0x1, s23;
	v1 =	vld [tilespmem:$0x1FF40];
	s0 =	simm.s32 @!p1 $0x0  }
0x15f: {  	s0 =	smov.u32 @p0 s2;
	p0 =	sne.s32 s23, $0x4;
	s12 =	spop (v2sf)  }
.Ltmp3:
0x160: {  	s31 =	spop (v2sf);
	(pc) =	sbr.rel @p0 .LBB2_6-.Ltmp3, $4  }
0x161: {  	v2 =	vlaneseq.u32;
	s10 =	smov.u32 s21;
	p2 =	sgt.f32 s11, $0.0e+00;
	v0 =	vmov s28;
	p1 =	sgt.u32 s31, $0x80000000  }
0x162: {  	vm1 =	veq.s32 v0, v2;
	v0 =	vmov s24;
	s10 =	simm.s32 @!p1 $0x0  }
0x163: {  	v1 =	vsel vm1, s0, v1;
	vm1 =	veq.s32 v0, v2;
	s10 =	smov.u32 @p2 s12  }
0x164: {  	v27 =	vimm.s32 $0x0;
	v0 =	vlaneseq.u32;
	v1 =	vsel vm1, s10, v1  }
0x165: {  	s20 =	sadd.s32 $0x1, s20  }
0x166: {  	p0 =	sne.s32 s20, s9  }
.Ltmp4:
0x167: {  	[tilespmem:$0x5000] =	vst v1;
	(pc) =	sbr.rel @p0 .LBB2_1-.Ltmp4, $4  }
0x168: {  	[hbm4b:s8+s3] =	stream.linear.scatter [tilespmem:s19], [sflag:$0x4], $0x8, $0x38;
	[tilespmem:$0x5010] =	vst v63  }
0x169: {  	_ =	swait.ge [sflag:s15], $0x8  }
0x16a: {  	[sflag:s15] =	ssyncset.done $0x0  }
0x16b: {  	[sflag:s15] =	ssyncadd.s32 $0xFFFFFFF8  }
0x16c: {  	_ =	sfence.sel $0x180000  }
0x16d: {  	[bflag:$0x0] =	sbarrier.arrive $0xFFFF  }
0x16e: {  	_ =	strace $0x90000047  }
0x16f: {  	s0 =	stileid.u32;
	[bflag:$0x2] =	sbarrier.arrive $0xFFFF  }
0x170: {  	p0 =	sne.s32 s0, $0x0;
	s0 =	rddreg [dreg:$0x4]  }
0x171: {  	s0 =	sadd.s32 @!p0 $0x100000, s0  }
0x172: {  	[sflag:s0] =	ssyncadd.tile.s32 @!p0 $0x1;
	_ =	shalt  }
.Lfunc_end2:
_tile_overlayer_lowered:
.L_overlay_start_2:
0x173: {  	(tag) =	ssettag $0x2  }
0x174: {  	s0 =	rddreg [dreg:$0x0];
	s2 =	stileid.u32  }
0x175: {  	s1 =	rddreg [dreg:$0x1];
	p0 =	sne.s32 s2, $0x0  }
0x176: {  	s3 =	rddreg [dreg:$0x2];
	[bflag:$0x3] =	sbarrier.arrive $0xFFFF;
	s2 =	simm.s32 @!p0 $0x1C04  }
0x177: {  	[timem:s3], [sflag:s2] =	dma.local @!p0 [hbm:s0], s1  }
0x178: {  	s0 =	simm.s32 @!p0 $0x4  }
0x179: {  	_ =	swait.ge @!p0 [sflag:s0], s1  }
0x17a: {  	s1 =	ssub.s32 @!p0 $0x0, s1;
	[sflag:s0] =	ssyncset.done @!p0 $0x0  }
0x17b: {  	[sflag:s0] =	ssyncadd.s32 @!p0 s1  }
0x17c: {  	[bflag:$0x3] =	sbarrier.arrive $0xFFFF  }
0x17d: {  	_ =	shalt  }

</sc_bundles>
